<compile_context>
chip_gen: v7x
topology: tpu7x:2x2x1
jax: 0.10.2.dev20260603
libtpu: 0.0.44.dev20260713+nightly
codegen_flags: <defaults>
</compile_context>

<pallas_src>
import functools

import jax
import jax.numpy as jnp
from jax import lax
from jax.experimental import pallas as pl
from jax.experimental.pallas import tpu as pltpu
from jax.experimental.pallas import tpu_sc as plsc

N = 10000
E = 320000
D = 128
C = 16

NC = 2
NS = 16
NW = NC * NS
NP = 10240
RPW = NP // NS
EP = NP * NW
EPW = EP // NW
CHUNK = 128
NCH = EPW // CHUNK

_mesh = plsc.VectorSubcoreMesh(core_axis_name="c", subcore_axis_name="s")


@functools.partial(
    pl.kernel,
    out_type=jax.ShapeDtypeStruct((NC, NP, D), jnp.float32),
    mesh=_mesh,
    scratch_types=[
        pltpu.VMEM((CHUNK,), jnp.int32),
        pltpu.VMEM((CHUNK,), jnp.int32),
        pltpu.VMEM((CHUNK, D), jnp.float32),
        pltpu.VMEM_SHARED((NP, D), jnp.float32),
        pltpu.SemaphoreType.DMA,
    ],
)
def _agg_wide(x_hbm, src_hbm, dst_hbm, zrows_hbm,
              acc_out, sidx, didx, rows, acc_sh,
              sem):
    c = lax.axis_index("c")
    s = lax.axis_index("s")
    r0 = s * RPW
    def step(t, carry):
        off = t * CHUNK
        pltpu.sync_copy(src_hbm.at[pl.ds(off, CHUNK)], sidx)
        pltpu.sync_copy(dst_hbm.at[pl.ds(off, CHUNK)], didx)
        pltpu.async_copy(x_hbm.at[sidx], rows, sem).wait()
        pltpu.sync_copy(rows, acc_sh.at[didx], add=True)
        return carry

    @pl.when((c * NS + s) == 0)
    def _():
        for k in range(NS):
            pltpu.sync_copy(zrows_hbm, acc_sh.at[pl.ds(k * RPW, RPW)])
        lax.fori_loop(0, EP // CHUNK, step, 0)
    plsc.subcore_barrier()
    pltpu.sync_copy(acc_sh.at[pl.ds(r0, RPW)], acc_out.at[c, pl.ds(r0, RPW)])


@functools.partial(
    pl.kernel,
    out_type=jax.ShapeDtypeStruct((NC, NP, C), jnp.float32),
    mesh=_mesh,
    scratch_types=[
        pltpu.VMEM((CHUNK,), jnp.int32),
        pltpu.VMEM((CHUNK,), jnp.int32),
        pltpu.VMEM((CHUNK, C), jnp.float32),
        pltpu.VMEM_SHARED((NP, C), jnp.float32),
        pltpu.VMEM_SHARED((NP, C), jnp.float32),
        pltpu.SemaphoreType.DMA,
    ],
)
def _agg_narrow(g_hbm, src_hbm, dst_hbm, zrows_hbm, acc_out,
                sidx, didx, rows, acc_sh, g_sh, sem):
    c = lax.axis_index("c")
    s = lax.axis_index("s")
    r0 = s * RPW
    def step(t, carry):
        off = t * CHUNK
        pltpu.sync_copy(src_hbm.at[pl.ds(off, CHUNK)], sidx)
        pltpu.sync_copy(dst_hbm.at[pl.ds(off, CHUNK)], didx)
        pltpu.async_copy(g_sh.at[sidx], rows, sem).wait()
        pltpu.sync_copy(rows, acc_sh.at[didx], add=True)
        return carry

    @pl.when((c * NS + s) == 0)
    def _():
        for k in range(NS):
            pltpu.sync_copy(zrows_hbm, acc_sh.at[pl.ds(k * RPW, RPW)])
            pltpu.sync_copy(g_hbm.at[pl.ds(k * RPW, RPW)],
                            g_sh.at[pl.ds(k * RPW, RPW)])
        lax.fori_loop(0, EP // CHUNK, step, 0)
    plsc.subcore_barrier()
    pltpu.sync_copy(acc_sh.at[pl.ds(r0, RPW)], acc_out.at[c, pl.ds(r0, RPW)])


def _dense_body(acc_ref, deg_ref, w0_ref, b0_ref, w1_ref, g_ref):
    a = acc_ref[0] + acc_ref[1]
    d = deg_ref[0][:, :1] + deg_ref[1][:, :1]
    dinv = 1.0 / jnp.maximum(d, 1.0)
    m = a * dinv
    h = jnp.dot(m, w0_ref[...], preferred_element_type=jnp.float32)
    h = jnp.maximum(h + b0_ref[...], 0.0)
    g_ref[...] = jnp.dot(h, w1_ref[...], preferred_element_type=jnp.float32)


def _final_body(acc_ref, deg_ref, b1_ref, out_ref):
    a = acc_ref[0] + acc_ref[1]
    d = deg_ref[0][:, :1] + deg_ref[1][:, :1]
    dinv = 1.0 / jnp.maximum(d, 1.0)
    out_ref[...] = a * dinv + b1_ref[...]


@jax.jit
def kernel(x, edge_index, W0, b0, W1, b1):
    npad = EP - E
    src = jnp.concatenate(
        [edge_index[0], jnp.zeros((npad,), jnp.int32)])
    pad_dst = N + (jnp.arange(npad, dtype=jnp.int32) % (NP - N))
    dst = jnp.concatenate([edge_index[1], pad_dst])

    zrows = jnp.zeros((RPW, D), jnp.float32)

    acc_w = _agg_wide(x, src, dst, zrows)
    deg0 = jax.ops.segment_sum(jnp.ones((EP,), jnp.float32), dst,
                               num_segments=NP)
    deg = jnp.stack([deg0, jnp.zeros_like(deg0)])[:, :, None] * jnp.ones(
        (1, 1, C), jnp.float32)

    g = pl.pallas_call(
        _dense_body,
        out_shape=jax.ShapeDtypeStruct((NP, C), jnp.float32),
    )(acc_w, deg, W0, b0.reshape(1, D), W1)

    zrows_n = jnp.zeros((RPW, C), jnp.float32)
    acc_n = _agg_narrow(g, src, dst, zrows_n)

    out = pl.pallas_call(
        _final_body,
        out_shape=jax.ShapeDtypeStruct((NP, C), jnp.float32),
    )(acc_n, deg, b1.reshape(1, C))
    return out[:N]

# --- scband reference (transcript-rebuilt; emitter-appended) ---
"""Pipeline reference for scband-gcnsampling-18141941859038 (READ-ONLY COPY).

The authoritative reference and input builder live on the scoring server;
editing this copy changes nothing except your own understanding.
"""

import jax, jax.numpy as jnp
import numpy as np

N = 10000
E = 320000
D_IN = 128
D_HID = 128
N_CLASSES = 16


def setup_inputs(seed: int = 0) -> dict:
    key = jax.random.key(seed)
    k1, k2, k3, k4 = jax.random.split(key, 4)
    x = jax.random.normal(k1, (N, D_IN), dtype=jnp.float32)
    edge_index = jax.random.randint(k2, (2, E), 0, N, dtype=jnp.int32)
    # Learned params: layer0 (in->hidden, relu), layer1 (hidden->classes, no act)
    W0 = jax.random.normal(k3, (D_IN, D_HID), dtype=jnp.float32) * 0.05
    b0 = jnp.zeros((D_HID,), dtype=jnp.float32)
    W1 = jax.random.normal(k4, (D_HID, N_CLASSES), dtype=jnp.float32) * 0.05
    b1 = jnp.zeros((N_CLASSES,), dtype=jnp.float32)
    return {"x": x, "edge_index": edge_index, "W0": W0, "b0": b0, "W1": W1, "b1": b1}


def reference(x, edge_index, W0, b0, W1, b1):
    # GCNSampling with n_layers=1, dropout=0: two NodeUpdate layers,
    # each preceded by copy_src + mean aggregation (block_compute).
    src = edge_index[0]
    dst = edge_index[1]
    n = x.shape[0]
    ones = jnp.ones((src.shape[0],), dtype=x.dtype)
    deg = jax.ops.segment_sum(ones, dst, num_segments=n)
    deg = jnp.maximum(deg, 1.0)[:, None]

    h = x
    # block 0: mean aggregation then NodeUpdate(in_feats -> n_hidden) with relu
    m = jax.ops.segment_sum(h[src], dst, num_segments=n) / deg
    h = jax.nn.relu(m @ W0 + b0)
    # block 1: mean aggregation then NodeUpdate(n_hidden -> n_classes), no activation
    m = jax.ops.segment_sum(h[src], dst, num_segments=n) / deg
    h = m @ W1 + b1
    return h

if __name__ == "__main__":
    import jax
    _d = setup_inputs()
    print(jax.jit(kernel)(*tuple(_d.values())))

</pallas_src>

<mosaic_0001>
#map = affine_map<(d0, d1) -> (0, 0)>
#map1 = affine_map<(d0, d1) -> (0)>
#map2 = affine_map<(d0, d1) -> (0, 0, 0)>
module attributes {stable_mosaic.version = 14 : i64} {
  func.func @_agg_wide(%arg0: i32, %arg1: i32, %arg2: memref<10000x128xf32, #tpu.memory_space<hbm>>, %arg3: memref<327680xi32, #tpu.memory_space<hbm>>, %arg4: memref<327680xi32, #tpu.memory_space<hbm>>, %arg5: memref<640x128xf32, #tpu.memory_space<hbm>>, %arg6: memref<2x10240x128xf32, #tpu.memory_space<hbm>>, %arg7: memref<128xi32, #tpu.memory_space<vmem>>, %arg8: memref<128xi32, #tpu.memory_space<vmem>>, %arg9: memref<128x128xf32, #tpu.memory_space<vmem>>, %arg10: memref<10240x128xf32, #tpu.memory_space<vmem_shared>>, %arg11: memref<!tpu.dma_semaphore, #tpu.memory_space<semaphore_mem>>) attributes {dimension_semantics = [#tpu.dimension_semantics<core_parallel>, #tpu.dimension_semantics<subcore_parallel>], iteration_bounds = array<i64: 2, 16>, scalar_prefetch = 0 : i64, scratch_operands = 5 : i64, tpu.core_type = #tpu.core_type<sc_vector_subcore>, window_params = [{transform_indices = #map}, {transform_indices = #map1}, {transform_indices = #map1}, {transform_indices = #map}, {transform_indices = #map2}]} {
    %mul3A = arith.constant 640 : i32
    %mul3A_0 = arith.muli %arg1, %mul3A : i32
    %mul3A_1 = arith.constant 16 : i32
    %mul3A_2 = arith.muli %arg0, %mul3A_1 : i32
    %add3A = arith.addi %mul3A_2, %arg1 : i32
    %eq3A = arith.constant 0 : i32
    %eq3A_3 = arith.cmpi eq, %add3A, %eq3A : i32
    %convert_element_type3A = arith.extui %eq3A_3 : i1 to i32
    %cond3A = arith.constant 0 : i32
    %cond3A_4 = arith.cmpi ne, %convert_element_type3A, %cond3A : i32
    scf.if %cond3A_4 {
      "tpu.region"() ({
        %run_scoped3A = tpu.sem_alloc : memref<!tpu.dma_semaphore, #tpu.memory_space<semaphore_mem>>
        %dma_start3A = arith.constant 0 : i32
        %dma_start3A_10 = arith.constant 0 : i32
        %dma_start3A_11 = tpu.memref_slice %arg10[%dma_start3A, %dma_start3A_10] : memref<10240x128xf32, #tpu.memory_space<vmem_shared>> -> memref<640x128xf32, #tpu.memory_space<vmem_shared>>
        tpu.enqueue_dma source(%arg5 : memref<640x128xf32, #tpu.memory_space<hbm>>) target(%dma_start3A_11 : memref<640x128xf32, #tpu.memory_space<vmem_shared>>) target_semaphore(%run_scoped3A : memref<!tpu.dma_semaphore, #tpu.memory_space<semaphore_mem>>)
        %dma_wait3A = arith.constant 0 : i32
        %dma_wait3A_12 = arith.constant 0 : i32
        %dma_wait3A_13 = tpu.memref_slice %arg10[%dma_wait3A, %dma_wait3A_12] : memref<10240x128xf32, #tpu.memory_space<vmem_shared>> -> memref<640x128xf32, #tpu.memory_space<vmem_shared>>
        tpu.wait_dma2 semaphore(%run_scoped3A : memref<!tpu.dma_semaphore, #tpu.memory_space<semaphore_mem>>) src(%arg5 : memref<640x128xf32, #tpu.memory_space<hbm>>) dst(%dma_wait3A_13 : memref<640x128xf32, #tpu.memory_space<vmem_shared>>)
        tpu.yield
      }) : () -> ()
      "tpu.region"() ({
        %run_scoped3A = tpu.sem_alloc : memref<!tpu.dma_semaphore, #tpu.memory_space<semaphore_mem>>
        %dma_start3A = arith.constant 640 : i32
        %dma_start3A_10 = arith.constant 0 : i32
        %dma_start3A_11 = tpu.memref_slice %arg10[%dma_start3A, %dma_start3A_10] : memref<10240x128xf32, #tpu.memory_space<vmem_shared>> -> memref<640x128xf32, #tpu.memory_space<vmem_shared>>
        tpu.enqueue_dma source(%arg5 : memref<640x128xf32, #tpu.memory_space<hbm>>) target(%dma_start3A_11 : memref<640x128xf32, #tpu.memory_space<vmem_shared>>) target_semaphore(%run_scoped3A : memref<!tpu.dma_semaphore, #tpu.memory_space<semaphore_mem>>)
        %dma_wait3A = arith.constant 640 : i32
        %dma_wait3A_12 = arith.constant 0 : i32
        %dma_wait3A_13 = tpu.memref_slice %arg10[%dma_wait3A, %dma_wait3A_12] : memref<10240x128xf32, #tpu.memory_space<vmem_shared>> -> memref<640x128xf32, #tpu.memory_space<vmem_shared>>
        tpu.wait_dma2 semaphore(%run_scoped3A : memref<!tpu.dma_semaphore, #tpu.memory_space<semaphore_mem>>) src(%arg5 : memref<640x128xf32, #tpu.memory_space<hbm>>) dst(%dma_wait3A_13 : memref<640x128xf32, #tpu.memory_space<vmem_shared>>)
        tpu.yield
      }) : () -> ()
      "tpu.region"() ({
        %run_scoped3A = tpu.sem_alloc : memref<!tpu.dma_semaphore, #tpu.memory_space<semaphore_mem>>
        %dma_start3A = arith.constant 1280 : i32
        %dma_start3A_10 = arith.constant 0 : i32
        %dma_start3A_11 = tpu.memref_slice %arg10[%dma_start3A, %dma_start3A_10] : memref<10240x128xf32, #tpu.memory_space<vmem_shared>> -> memref<640x128xf32, #tpu.memory_space<vmem_shared>>
        tpu.enqueue_dma source(%arg5 : memref<640x128xf32, #tpu.memory_space<hbm>>) target(%dma_start3A_11 : memref<640x128xf32, #tpu.memory_space<vmem_shared>>) target_semaphore(%run_scoped3A : memref<!tpu.dma_semaphore, #tpu.memory_space<semaphore_mem>>)
        %dma_wait3A = arith.constant 1280 : i32
        %dma_wait3A_12 = arith.constant 0 : i32
        %dma_wait3A_13 = tpu.memref_slice %arg10[%dma_wait3A, %dma_wait3A_12] : memref<10240x128xf32, #tpu.memory_space<vmem_shared>> -> memref<640x128xf32, #tpu.memory_space<vmem_shared>>
        tpu.wait_dma2 semaphore(%run_scoped3A : memref<!tpu.dma_semaphore, #tpu.memory_space<semaphore_mem>>) src(%arg5 : memref<640x128xf32, #tpu.memory_space<hbm>>) dst(%dma_wait3A_13 : memref<640x128xf32, #tpu.memory_space<vmem_shared>>)
        tpu.yield
      }) : () -> ()
      "tpu.region"() ({
        %run_scoped3A = tpu.sem_alloc : memref<!tpu.dma_semaphore, #tpu.memory_space<semaphore_mem>>
        %dma_start3A = arith.constant 1920 : i32
        %dma_start3A_10 = arith.constant 0 : i32
        %dma_start3A_11 = tpu.memref_slice %arg10[%dma_start3A, %dma_start3A_10] : memref<10240x128xf32, #tpu.memory_space<vmem_shared>> -> memref<640x128xf32, #tpu.memory_space<vmem_shared>>
        tpu.enqueue_dma source(%arg5 : memref<640x128xf32, #tpu.memory_space<hbm>>) target(%dma_start3A_11 : memref<640x128xf32, #tpu.memory_space<vmem_shared>>) target_semaphore(%run_scoped3A : memref<!tpu.dma_semaphore, #tpu.memory_space<semaphore_mem>>)
        %dma_wait3A = arith.constant 1920 : i32
        %dma_wait3A_12 = arith.constant 0 : i32
        %dma_wait3A_13 = tpu.memref_slice %arg10[%dma_wait3A, %dma_wait3A_12] : memref<10240x128xf32, #tpu.memory_space<vmem_shared>> -> memref<640x128xf32, #tpu.memory_space<vmem_shared>>
        tpu.wait_dma2 semaphore(%run_scoped3A : memref<!tpu.dma_semaphore, #tpu.memory_space<semaphore_mem>>) src(%arg5 : memref<640x128xf32, #tpu.memory_space<hbm>>) dst(%dma_wait3A_13 : memref<640x128xf32, #tpu.memory_space<vmem_shared>>)
        tpu.yield
      }) : () -> ()
      "tpu.region"() ({
        %run_scoped3A = tpu.sem_alloc : memref<!tpu.dma_semaphore, #tpu.memory_space<semaphore_mem>>
        %dma_start3A = arith.constant 2560 : i32
        %dma_start3A_10 = arith.constant 0 : i32
        %dma_start3A_11 = tpu.memref_slice %arg10[%dma_start3A, %dma_start3A_10] : memref<10240x128xf32, #tpu.memory_space<vmem_shared>> -> memref<640x128xf32, #tpu.memory_space<vmem_shared>>
        tpu.enqueue_dma source(%arg5 : memref<640x128xf32, #tpu.memory_space<hbm>>) target(%dma_start3A_11 : memref<640x128xf32, #tpu.memory_space<vmem_shared>>) target_semaphore(%run_scoped3A : memref<!tpu.dma_semaphore, #tpu.memory_space<semaphore_mem>>)
        %dma_wait3A = arith.constant 2560 : i32
        %dma_wait3A_12 = arith.constant 0 : i32
        %dma_wait3A_13 = tpu.memref_slice %arg10[%dma_wait3A, %dma_wait3A_12] : memref<10240x128xf32, #tpu.memory_space<vmem_shared>> -> memref<640x128xf32, #tpu.memory_space<vmem_shared>>
        tpu.wait_dma2 semaphore(%run_scoped3A : memref<!tpu.dma_semaphore, #tpu.memory_space<semaphore_mem>>) src(%arg5 : memref<640x128xf32, #tpu.memory_space<hbm>>) dst(%dma_wait3A_13 : memref<640x128xf32, #tpu.memory_space<vmem_shared>>)
        tpu.yield
      }) : () -> ()
      "tpu.region"() ({
        %run_scoped3A = tpu.sem_alloc : memref<!tpu.dma_semaphore, #tpu.memory_space<semaphore_mem>>
        %dma_start3A = arith.constant 3200 : i32
        %dma_start3A_10 = arith.constant 0 : i32
        %dma_start3A_11 = tpu.memref_slice %arg10[%dma_start3A, %dma_start3A_10] : memref<10240x128xf32, #tpu.memory_space<vmem_shared>> -> memref<640x128xf32, #tpu.memory_space<vmem_shared>>
        tpu.enqueue_dma source(%arg5 : memref<640x128xf32, #tpu.memory_space<hbm>>) target(%dma_start3A_11 : memref<640x128xf32, #tpu.memory_space<vmem_shared>>) target_semaphore(%run_scoped3A : memref<!tpu.dma_semaphore, #tpu.memory_space<semaphore_mem>>)
        %dma_wait3A = arith.constant 3200 : i32
        %dma_wait3A_12 = arith.constant 0 : i32
        %dma_wait3A_13 = tpu.memref_slice %arg10[%dma_wait3A, %dma_wait3A_12] : memref<10240x128xf32, #tpu.memory_space<vmem_shared>> -> memref<640x128xf32, #tpu.memory_space<vmem_shared>>
        tpu.wait_dma2 semaphore(%run_scoped3A : memref<!tpu.dma_semaphore, #tpu.memory_space<semaphore_mem>>) src(%arg5 : memref<640x128xf32, #tpu.memory_space<hbm>>) dst(%dma_wait3A_13 : memref<640x128xf32, #tpu.memory_space<vmem_shared>>)
        tpu.yield
      }) : () -> ()
      "tpu.region"() ({
        %run_scoped3A = tpu.sem_alloc : memref<!tpu.dma_semaphore, #tpu.memory_space<semaphore_mem>>
        %dma_start3A = arith.constant 3840 : i32
        %dma_start3A_10 = arith.constant 0 : i32
        %dma_start3A_11 = tpu.memref_slice %arg10[%dma_start3A, %dma_start3A_10] : memref<10240x128xf32, #tpu.memory_space<vmem_shared>> -> memref<640x128xf32, #tpu.memory_space<vmem_shared>>
        tpu.enqueue_dma source(%arg5 : memref<640x128xf32, #tpu.memory_space<hbm>>) target(%dma_start3A_11 : memref<640x128xf32, #tpu.memory_space<vmem_shared>>) target_semaphore(%run_scoped3A : memref<!tpu.dma_semaphore, #tpu.memory_space<semaphore_mem>>)
        %dma_wait3A = arith.constant 3840 : i32
        %dma_wait3A_12 = arith.constant 0 : i32
        %dma_wait3A_13 = tpu.memref_slice %arg10[%dma_wait3A, %dma_wait3A_12] : memref<10240x128xf32, #tpu.memory_space<vmem_shared>> -> memref<640x128xf32, #tpu.memory_space<vmem_shared>>
        tpu.wait_dma2 semaphore(%run_scoped3A : memref<!tpu.dma_semaphore, #tpu.memory_space<semaphore_mem>>) src(%arg5 : memref<640x128xf32, #tpu.memory_space<hbm>>) dst(%dma_wait3A_13 : memref<640x128xf32, #tpu.memory_space<vmem_shared>>)
        tpu.yield
      }) : () -> ()
      "tpu.region"() ({
        %run_scoped3A = tpu.sem_alloc : memref<!tpu.dma_semaphore, #tpu.memory_space<semaphore_mem>>
        %dma_start3A = arith.constant 4480 : i32
        %dma_start3A_10 = arith.constant 0 : i32
        %dma_start3A_11 = tpu.memref_slice %arg10[%dma_start3A, %dma_start3A_10] : memref<10240x128xf32, #tpu.memory_space<vmem_shared>> -> memref<640x128xf32, #tpu.memory_space<vmem_shared>>
        tpu.enqueue_dma source(%arg5 : memref<640x128xf32, #tpu.memory_space<hbm>>) target(%dma_start3A_11 : memref<640x128xf32, #tpu.memory_space<vmem_shared>>) target_semaphore(%run_scoped3A : memref<!tpu.dma_semaphore, #tpu.memory_space<semaphore_mem>>)
        %dma_wait3A = arith.constant 4480 : i32
        %dma_wait3A_12 = arith.constant 0 : i32
        %dma_wait3A_13 = tpu.memref_slice %arg10[%dma_wait3A, %dma_wait3A_12] : memref<10240x128xf32, #tpu.memory_space<vmem_shared>> -> memref<640x128xf32, #tpu.memory_space<vmem_shared>>
        tpu.wait_dma2 semaphore(%run_scoped3A : memref<!tpu.dma_semaphore, #tpu.memory_space<semaphore_mem>>) src(%arg5 : memref<640x128xf32, #tpu.memory_space<hbm>>) dst(%dma_wait3A_13 : memref<640x128xf32, #tpu.memory_space<vmem_shared>>)
        tpu.yield
      }) : () -> ()
      "tpu.region"() ({
        %run_scoped3A = tpu.sem_alloc : memref<!tpu.dma_semaphore, #tpu.memory_space<semaphore_mem>>
        %dma_start3A = arith.constant 5120 : i32
        %dma_start3A_10 = arith.constant 0 : i32
        %dma_start3A_11 = tpu.memref_slice %arg10[%dma_start3A, %dma_start3A_10] : memref<10240x128xf32, #tpu.memory_space<vmem_shared>> -> memref<640x128xf32, #tpu.memory_space<vmem_shared>>
        tpu.enqueue_dma source(%arg5 : memref<640x128xf32, #tpu.memory_space<hbm>>) target(%dma_start3A_11 : memref<640x128xf32, #tpu.memory_space<vmem_shared>>) target_semaphore(%run_scoped3A : memref<!tpu.dma_semaphore, #tpu.memory_space<semaphore_mem>>)
        %dma_wait3A = arith.constant 5120 : i32
        %dma_wait3A_12 = arith.constant 0 : i32
        %dma_wait3A_13 = tpu.memref_slice %arg10[%dma_wait3A, %dma_wait3A_12] : memref<10240x128xf32, #tpu.memory_space<vmem_shared>> -> memref<640x128xf32, #tpu.memory_space<vmem_shared>>
        tpu.wait_dma2 semaphore(%run_scoped3A : memref<!tpu.dma_semaphore, #tpu.memory_space<semaphore_mem>>) src(%arg5 : memref<640x128xf32, #tpu.memory_space<hbm>>) dst(%dma_wait3A_13 : memref<640x128xf32, #tpu.memory_space<vmem_shared>>)
        tpu.yield
      }) : () -> ()
      "tpu.region"() ({
        %run_scoped3A = tpu.sem_alloc : memref<!tpu.dma_semaphore, #tpu.memory_space<semaphore_mem>>
        %dma_start3A = arith.constant 5760 : i32
        %dma_start3A_10 = arith.constant 0 : i32
        %dma_start3A_11 = tpu.memref_slice %arg10[%dma_start3A, %dma_start3A_10] : memref<10240x128xf32, #tpu.memory_space<vmem_shared>> -> memref<640x128xf32, #tpu.memory_space<vmem_shared>>
        tpu.enqueue_dma source(%arg5 : memref<640x128xf32, #tpu.memory_space<hbm>>) target(%dma_start3A_11 : memref<640x128xf32, #tpu.memory_space<vmem_shared>>) target_semaphore(%run_scoped3A : memref<!tpu.dma_semaphore, #tpu.memory_space<semaphore_mem>>)
        %dma_wait3A = arith.constant 5760 : i32
        %dma_wait3A_12 = arith.constant 0 : i32
        %dma_wait3A_13 = tpu.memref_slice %arg10[%dma_wait3A, %dma_wait3A_12] : memref<10240x128xf32, #tpu.memory_space<vmem_shared>> -> memref<640x128xf32, #tpu.memory_space<vmem_shared>>
        tpu.wait_dma2 semaphore(%run_scoped3A : memref<!tpu.dma_semaphore, #tpu.memory_space<semaphore_mem>>) src(%arg5 : memref<640x128xf32, #tpu.memory_space<hbm>>) dst(%dma_wait3A_13 : memref<640x128xf32, #tpu.memory_space<vmem_shared>>)
        tpu.yield
      }) : () -> ()
      "tpu.region"() ({
        %run_scoped3A = tpu.sem_alloc : memref<!tpu.dma_semaphore, #tpu.memory_space<semaphore_mem>>
        %dma_start3A = arith.constant 6400 : i32
        %dma_start3A_10 = arith.constant 0 : i32
        %dma_start3A_11 = tpu.memref_slice %arg10[%dma_start3A, %dma_start3A_10] : memref<10240x128xf32, #tpu.memory_space<vmem_shared>> -> memref<640x128xf32, #tpu.memory_space<vmem_shared>>
        tpu.enqueue_dma source(%arg5 : memref<640x128xf32, #tpu.memory_space<hbm>>) target(%dma_start3A_11 : memref<640x128xf32, #tpu.memory_space<vmem_shared>>) target_semaphore(%run_scoped3A : memref<!tpu.dma_semaphore, #tpu.memory_space<semaphore_mem>>)
        %dma_wait3A = arith.constant 6400 : i32
        %dma_wait3A_12 = arith.constant 0 : i32
        %dma_wait3A_13 = tpu.memref_slice %arg10[%dma_wait3A, %dma_wait3A_12] : memref<10240x128xf32, #tpu.memory_space<vmem_shared>> -> memref<640x128xf32, #tpu.memory_space<vmem_shared>>
        tpu.wait_dma2 semaphore(%run_scoped3A : memref<!tpu.dma_semaphore, #tpu.memory_space<semaphore_mem>>) src(%arg5 : memref<640x128xf32, #tpu.memory_space<hbm>>) dst(%dma_wait3A_13 : memref<640x128xf32, #tpu.memory_space<vmem_shared>>)
        tpu.yield
      }) : () -> ()
      "tpu.region"() ({
        %run_scoped3A = tpu.sem_alloc : memref<!tpu.dma_semaphore, #tpu.memory_space<semaphore_mem>>
        %dma_start3A = arith.constant 7040 : i32
        %dma_start3A_10 = arith.constant 0 : i32
        %dma_start3A_11 = tpu.memref_slice %arg10[%dma_start3A, %dma_start3A_10] : memref<10240x128xf32, #tpu.memory_space<vmem_shared>> -> memref<640x128xf32, #tpu.memory_space<vmem_shared>>
        tpu.enqueue_dma source(%arg5 : memref<640x128xf32, #tpu.memory_space<hbm>>) target(%dma_start3A_11 : memref<640x128xf32, #tpu.memory_space<vmem_shared>>) target_semaphore(%run_scoped3A : memref<!tpu.dma_semaphore, #tpu.memory_space<semaphore_mem>>)
        %dma_wait3A = arith.constant 7040 : i32
        %dma_wait3A_12 = arith.constant 0 : i32
        %dma_wait3A_13 = tpu.memref_slice %arg10[%dma_wait3A, %dma_wait3A_12] : memref<10240x128xf32, #tpu.memory_space<vmem_shared>> -> memref<640x128xf32, #tpu.memory_space<vmem_shared>>
        tpu.wait_dma2 semaphore(%run_scoped3A : memref<!tpu.dma_semaphore, #tpu.memory_space<semaphore_mem>>) src(%arg5 : memref<640x128xf32, #tpu.memory_space<hbm>>) dst(%dma_wait3A_13 : memref<640x128xf32, #tpu.memory_space<vmem_shared>>)
        tpu.yield
      }) : () -> ()
      "tpu.region"() ({
        %run_scoped3A = tpu.sem_alloc : memref<!tpu.dma_semaphore, #tpu.memory_space<semaphore_mem>>
        %dma_start3A = arith.constant 7680 : i32
        %dma_start3A_10 = arith.constant 0 : i32
        %dma_start3A_11 = tpu.memref_slice %arg10[%dma_start3A, %dma_start3A_10] : memref<10240x128xf32, #tpu.memory_space<vmem_shared>> -> memref<640x128xf32, #tpu.memory_space<vmem_shared>>
        tpu.enqueue_dma source(%arg5 : memref<640x128xf32, #tpu.memory_space<hbm>>) target(%dma_start3A_11 : memref<640x128xf32, #tpu.memory_space<vmem_shared>>) target_semaphore(%run_scoped3A : memref<!tpu.dma_semaphore, #tpu.memory_space<semaphore_mem>>)
        %dma_wait3A = arith.constant 7680 : i32
        %dma_wait3A_12 = arith.constant 0 : i32
        %dma_wait3A_13 = tpu.memref_slice %arg10[%dma_wait3A, %dma_wait3A_12] : memref<10240x128xf32, #tpu.memory_space<vmem_shared>> -> memref<640x128xf32, #tpu.memory_space<vmem_shared>>
        tpu.wait_dma2 semaphore(%run_scoped3A : memref<!tpu.dma_semaphore, #tpu.memory_space<semaphore_mem>>) src(%arg5 : memref<640x128xf32, #tpu.memory_space<hbm>>) dst(%dma_wait3A_13 : memref<640x128xf32, #tpu.memory_space<vmem_shared>>)
        tpu.yield
      }) : () -> ()
      "tpu.region"() ({
        %run_scoped3A = tpu.sem_alloc : memref<!tpu.dma_semaphore, #tpu.memory_space<semaphore_mem>>
        %dma_start3A = arith.constant 8320 : i32
        %dma_start3A_10 = arith.constant 0 : i32
        %dma_start3A_11 = tpu.memref_slice %arg10[%dma_start3A, %dma_start3A_10] : memref<10240x128xf32, #tpu.memory_space<vmem_shared>> -> memref<640x128xf32, #tpu.memory_space<vmem_shared>>
        tpu.enqueue_dma source(%arg5 : memref<640x128xf32, #tpu.memory_space<hbm>>) target(%dma_start3A_11 : memref<640x128xf32, #tpu.memory_space<vmem_shared>>) target_semaphore(%run_scoped3A : memref<!tpu.dma_semaphore, #tpu.memory_space<semaphore_mem>>)
        %dma_wait3A = arith.constant 8320 : i32
        %dma_wait3A_12 = arith.constant 0 : i32
        %dma_wait3A_13 = tpu.memref_slice %arg10[%dma_wait3A, %dma_wait3A_12] : memref<10240x128xf32, #tpu.memory_space<vmem_shared>> -> memref<640x128xf32, #tpu.memory_space<vmem_shared>>
        tpu.wait_dma2 semaphore(%run_scoped3A : memref<!tpu.dma_semaphore, #tpu.memory_space<semaphore_mem>>) src(%arg5 : memref<640x128xf32, #tpu.memory_space<hbm>>) dst(%dma_wait3A_13 : memref<640x128xf32, #tpu.memory_space<vmem_shared>>)
        tpu.yield
      }) : () -> ()
      "tpu.region"() ({
        %run_scoped3A = tpu.sem_alloc : memref<!tpu.dma_semaphore, #tpu.memory_space<semaphore_mem>>
        %dma_start3A = arith.constant 8960 : i32
        %dma_start3A_10 = arith.constant 0 : i32
        %dma_start3A_11 = tpu.memref_slice %arg10[%dma_start3A, %dma_start3A_10] : memref<10240x128xf32, #tpu.memory_space<vmem_shared>> -> memref<640x128xf32, #tpu.memory_space<vmem_shared>>
        tpu.enqueue_dma source(%arg5 : memref<640x128xf32, #tpu.memory_space<hbm>>) target(%dma_start3A_11 : memref<640x128xf32, #tpu.memory_space<vmem_shared>>) target_semaphore(%run_scoped3A : memref<!tpu.dma_semaphore, #tpu.memory_space<semaphore_mem>>)
        %dma_wait3A = arith.constant 8960 : i32
        %dma_wait3A_12 = arith.constant 0 : i32
        %dma_wait3A_13 = tpu.memref_slice %arg10[%dma_wait3A, %dma_wait3A_12] : memref<10240x128xf32, #tpu.memory_space<vmem_shared>> -> memref<640x128xf32, #tpu.memory_space<vmem_shared>>
        tpu.wait_dma2 semaphore(%run_scoped3A : memref<!tpu.dma_semaphore, #tpu.memory_space<semaphore_mem>>) src(%arg5 : memref<640x128xf32, #tpu.memory_space<hbm>>) dst(%dma_wait3A_13 : memref<640x128xf32, #tpu.memory_space<vmem_shared>>)
        tpu.yield
      }) : () -> ()
      "tpu.region"() ({
        %run_scoped3A = tpu.sem_alloc : memref<!tpu.dma_semaphore, #tpu.memory_space<semaphore_mem>>
        %dma_start3A = arith.constant 9600 : i32
        %dma_start3A_10 = arith.constant 0 : i32
        %dma_start3A_11 = tpu.memref_slice %arg10[%dma_start3A, %dma_start3A_10] : memref<10240x128xf32, #tpu.memory_space<vmem_shared>> -> memref<640x128xf32, #tpu.memory_space<vmem_shared>>
        tpu.enqueue_dma source(%arg5 : memref<640x128xf32, #tpu.memory_space<hbm>>) target(%dma_start3A_11 : memref<640x128xf32, #tpu.memory_space<vmem_shared>>) target_semaphore(%run_scoped3A : memref<!tpu.dma_semaphore, #tpu.memory_space<semaphore_mem>>)
        %dma_wait3A = arith.constant 9600 : i32
        %dma_wait3A_12 = arith.constant 0 : i32
        %dma_wait3A_13 = tpu.memref_slice %arg10[%dma_wait3A, %dma_wait3A_12] : memref<10240x128xf32, #tpu.memory_space<vmem_shared>> -> memref<640x128xf32, #tpu.memory_space<vmem_shared>>
        tpu.wait_dma2 semaphore(%run_scoped3A : memref<!tpu.dma_semaphore, #tpu.memory_space<semaphore_mem>>) src(%arg5 : memref<640x128xf32, #tpu.memory_space<hbm>>) dst(%dma_wait3A_13 : memref<640x128xf32, #tpu.memory_space<vmem_shared>>)
        tpu.yield
      }) : () -> ()
      %scan3A = arith.constant 0 : i32
      %scan3A_5 = arith.constant 0 : i32
      %scan3A_6 = arith.constant 2560 : i32
      %scan3A_7 = arith.addi %scan3A_5, %scan3A_6 : i32
      %scan3A_8 = arith.constant 1 : i32
      scf.for %scan3A_10 = %scan3A_5 to %scan3A_7 step %scan3A_8  : i32 {
        %mul3A_11 = arith.constant 128 : i32
        %mul3A_12 = arith.muli %scan3A_10, %mul3A_11 : i32
        "tpu.region"() ({
          %run_scoped3A = tpu.sem_alloc : memref<!tpu.dma_semaphore, #tpu.memory_space<semaphore_mem>>
          %dma_start3A_17 = tpu.memref_slice %arg3[%mul3A_12] : memref<327680xi32, #tpu.memory_space<hbm>> -> memref<128xi32, #tpu.memory_space<hbm>>
          %dma_start3A_18 = tpu.memref_slice %arg3[%mul3A_12] : memref<327680xi32, #tpu.memory_space<hbm>> -> memref<128xi32, #tpu.memory_space<hbm>>
          tpu.enqueue_dma source(%dma_start3A_18 : memref<128xi32, #tpu.memory_space<hbm>>) target(%arg7 : memref<128xi32, #tpu.memory_space<vmem>>) target_semaphore(%run_scoped3A : memref<!tpu.dma_semaphore, #tpu.memory_space<semaphore_mem>>)
          %dma_wait3A_19 = tpu.memref_slice %arg3[%mul3A_12] : memref<327680xi32, #tpu.memory_space<hbm>> -> memref<128xi32, #tpu.memory_space<hbm>>
          %dma_wait3A_20 = tpu.memref_slice %arg3[%mul3A_12] : memref<327680xi32, #tpu.memory_space<hbm>> -> memref<128xi32, #tpu.memory_space<hbm>>
          tpu.wait_dma2 semaphore(%run_scoped3A : memref<!tpu.dma_semaphore, #tpu.memory_space<semaphore_mem>>) src(%dma_wait3A_20 : memref<128xi32, #tpu.memory_space<hbm>>) dst(%arg7 : memref<128xi32, #tpu.memory_space<vmem>>)
          tpu.yield
        }) : () -> ()
        "tpu.region"() ({
          %run_scoped3A = tpu.sem_alloc : memref<!tpu.dma_semaphore, #tpu.memory_space<semaphore_mem>>
          %dma_start3A_17 = tpu.memref_slice %arg4[%mul3A_12] : memref<327680xi32, #tpu.memory_space<hbm>> -> memref<128xi32, #tpu.memory_space<hbm>>
          %dma_start3A_18 = tpu.memref_slice %arg4[%mul3A_12] : memref<327680xi32, #tpu.memory_space<hbm>> -> memref<128xi32, #tpu.memory_space<hbm>>
          tpu.enqueue_dma source(%dma_start3A_18 : memref<128xi32, #tpu.memory_space<hbm>>) target(%arg8 : memref<128xi32, #tpu.memory_space<vmem>>) target_semaphore(%run_scoped3A : memref<!tpu.dma_semaphore, #tpu.memory_space<semaphore_mem>>)
          %dma_wait3A_19 = tpu.memref_slice %arg4[%mul3A_12] : memref<327680xi32, #tpu.memory_space<hbm>> -> memref<128xi32, #tpu.memory_space<hbm>>
          %dma_wait3A_20 = tpu.memref_slice %arg4[%mul3A_12] : memref<327680xi32, #tpu.memory_space<hbm>> -> memref<128xi32, #tpu.memory_space<hbm>>
          tpu.wait_dma2 semaphore(%run_scoped3A : memref<!tpu.dma_semaphore, #tpu.memory_space<semaphore_mem>>) src(%dma_wait3A_20 : memref<128xi32, #tpu.memory_space<hbm>>) dst(%arg8 : memref<128xi32, #tpu.memory_space<vmem>>)
          tpu.yield
        }) : () -> ()
        %dma_start3A = arith.constant 0 : i32
        %dma_start3A_13 = arith.constant 0 : i32
        %dma_start3A_14 = tpu.memref_slice %arg2[%dma_start3A, %dma_start3A_13] : memref<10000x128xf32, #tpu.memory_space<hbm>> -> memref<10000x128xf32, #tpu.memory_space<hbm>>
        tpu.enqueue_indirect_dma source(%dma_start3A_14 : memref<10000x128xf32, #tpu.memory_space<hbm>>) target(%arg9 : memref<128x128xf32, #tpu.memory_space<vmem>>) offsets(%arg7 : memref<128xi32, #tpu.memory_space<vmem>>) semaphore(%arg11 : memref<!tpu.dma_semaphore, #tpu.memory_space<semaphore_mem>>)
        %dma_wait3A = arith.constant 0 : i32
        %dma_wait3A_15 = arith.constant 0 : i32
        %dma_wait3A_16 = tpu.memref_slice %arg2[%dma_wait3A, %dma_wait3A_15] : memref<10000x128xf32, #tpu.memory_space<hbm>> -> memref<10000x128xf32, #tpu.memory_space<hbm>>
        tpu.wait_indirect_dma semaphore(%arg11 : memref<!tpu.dma_semaphore, #tpu.memory_space<semaphore_mem>>) src(%dma_wait3A_16 : memref<10000x128xf32, #tpu.memory_space<hbm>>) dst(%arg9 : memref<128x128xf32, #tpu.memory_space<vmem>>)
        "tpu.region"() ({
          %run_scoped3A = tpu.sem_alloc : memref<!tpu.dma_semaphore, #tpu.memory_space<semaphore_mem>>
          %dma_start3A_17 = arith.constant 0 : i32
          %dma_start3A_18 = arith.constant 0 : i32
          %dma_start3A_19 = tpu.memref_slice %arg10[%dma_start3A_17, %dma_start3A_18] : memref<10240x128xf32, #tpu.memory_space<vmem_shared>> -> memref<10240x128xf32, #tpu.memory_space<vmem_shared>>
          tpu.enqueue_indirect_dma source(%arg9 : memref<128x128xf32, #tpu.memory_space<vmem>>) target(%dma_start3A_19 : memref<10240x128xf32, #tpu.memory_space<vmem_shared>>) offsets(%arg8 : memref<128xi32, #tpu.memory_space<vmem>>) semaphore(%run_scoped3A : memref<!tpu.dma_semaphore, #tpu.memory_space<semaphore_mem>>) {add = true}
          %dma_wait3A_20 = arith.constant 0 : i32
          %dma_wait3A_21 = arith.constant 0 : i32
          %dma_wait3A_22 = tpu.memref_slice %arg10[%dma_wait3A_20, %dma_wait3A_21] : memref<10240x128xf32, #tpu.memory_space<vmem_shared>> -> memref<10240x128xf32, #tpu.memory_space<vmem_shared>>
          tpu.wait_indirect_dma semaphore(%run_scoped3A : memref<!tpu.dma_semaphore, #tpu.memory_space<semaphore_mem>>) src(%arg9 : memref<128x128xf32, #tpu.memory_space<vmem>>) dst(%dma_wait3A_22 : memref<10240x128xf32, #tpu.memory_space<vmem_shared>>)
          tpu.yield
        }) : () -> ()
      }
      %scan3A_9 = arith.constant 2560 : i32
    } else {
    }
    %barrier3A = arith.constant 0 : index
    tpu.barrier barrier_id(%barrier3A)
    "tpu.region"() ({
      %run_scoped3A = tpu.sem_alloc : memref<!tpu.dma_semaphore, #tpu.memory_space<semaphore_mem>>
      %dma_start3A = arith.constant 0 : i32
      %dma_start3A_5 = tpu.memref_slice %arg6[%arg0, %mul3A_0, %dma_start3A] : memref<2x10240x128xf32, #tpu.memory_space<hbm>> -> memref<1x640x128xf32, #tpu.memory_space<hbm>>
      %dma_start3A_6 = tpu.memref_squeeze %dma_start3A_5 : memref<1x640x128xf32, #tpu.memory_space<hbm>> -> memref<640x128xf32, #tpu.memory_space<hbm>>
      %dma_start3A_7 = arith.constant 0 : i32
      %dma_start3A_8 = tpu.memref_slice %arg10[%mul3A_0, %dma_start3A_7] : memref<10240x128xf32, #tpu.memory_space<vmem_shared>> -> memref<640x128xf32, #tpu.memory_space<vmem_shared>>
      tpu.enqueue_dma source(%dma_start3A_8 : memref<640x128xf32, #tpu.memory_space<vmem_shared>>) target(%dma_start3A_6 : memref<640x128xf32, #tpu.memory_space<hbm>>) target_semaphore(%run_scoped3A : memref<!tpu.dma_semaphore, #tpu.memory_space<semaphore_mem>>)
      %dma_wait3A = arith.constant 0 : i32
      %dma_wait3A_9 = tpu.memref_slice %arg6[%arg0, %mul3A_0, %dma_wait3A] : memref<2x10240x128xf32, #tpu.memory_space<hbm>> -> memref<1x640x128xf32, #tpu.memory_space<hbm>>
      %dma_wait3A_10 = tpu.memref_squeeze %dma_wait3A_9 : memref<1x640x128xf32, #tpu.memory_space<hbm>> -> memref<640x128xf32, #tpu.memory_space<hbm>>
      %dma_wait3A_11 = arith.constant 0 : i32
      %dma_wait3A_12 = tpu.memref_slice %arg10[%mul3A_0, %dma_wait3A_11] : memref<10240x128xf32, #tpu.memory_space<vmem_shared>> -> memref<640x128xf32, #tpu.memory_space<vmem_shared>>
      tpu.wait_dma2 semaphore(%run_scoped3A : memref<!tpu.dma_semaphore, #tpu.memory_space<semaphore_mem>>) src(%dma_wait3A_12 : memref<640x128xf32, #tpu.memory_space<vmem_shared>>) dst(%dma_wait3A_10 : memref<640x128xf32, #tpu.memory_space<hbm>>)
      tpu.yield
    }) : () -> ()
    return
  }
}

#map = affine_map<(d0, d1) -> (0, 0)>
#map1 = affine_map<(d0, d1) -> (0)>
#map2 = affine_map<(d0, d1) -> (0, 0, 0)>
module attributes {stable_mosaic.version = 14 : i64} {
  func.func @_agg_narrow(%arg0: i32, %arg1: i32, %arg2: memref<10240x16xf32, #tpu.memory_space<hbm>>, %arg3: memref<327680xi32, #tpu.memory_space<hbm>>, %arg4: memref<327680xi32, #tpu.memory_space<hbm>>, %arg5: memref<640x16xf32, #tpu.memory_space<hbm>>, %arg6: memref<2x10240x16xf32, #tpu.memory_space<hbm>>, %arg7: memref<128xi32, #tpu.memory_space<vmem>>, %arg8: memref<128xi32, #tpu.memory_space<vmem>>, %arg9: memref<128x16xf32, #tpu.memory_space<vmem>>, %arg10: memref<10240x16xf32, #tpu.memory_space<vmem_shared>>, %arg11: memref<10240x16xf32, #tpu.memory_space<vmem_shared>>, %arg12: memref<!tpu.dma_semaphore, #tpu.memory_space<semaphore_mem>>) attributes {dimension_semantics = [#tpu.dimension_semantics<core_parallel>, #tpu.dimension_semantics<subcore_parallel>], iteration_bounds = array<i64: 2, 16>, scalar_prefetch = 0 : i64, scratch_operands = 6 : i64, tpu.core_type = #tpu.core_type<sc_vector_subcore>, window_params = [{transform_indices = #map}, {transform_indices = #map1}, {transform_indices = #map1}, {transform_indices = #map}, {transform_indices = #map2}]} {
    %mul3A = arith.constant 640 : i32
    %mul3A_0 = arith.muli %arg1, %mul3A : i32
    %mul3A_1 = arith.constant 16 : i32
    %mul3A_2 = arith.muli %arg0, %mul3A_1 : i32
    %add3A = arith.addi %mul3A_2, %arg1 : i32
    %eq3A = arith.constant 0 : i32
    %eq3A_3 = arith.cmpi eq, %add3A, %eq3A : i32
    %convert_element_type3A = arith.extui %eq3A_3 : i1 to i32
    %cond3A = arith.constant 0 : i32
    %cond3A_4 = arith.cmpi ne, %convert_element_type3A, %cond3A : i32
    scf.if %cond3A_4 {
      "tpu.region"() ({
        %run_scoped3A = tpu.sem_alloc : memref<!tpu.dma_semaphore, #tpu.memory_space<semaphore_mem>>
        %dma_start3A = arith.constant 0 : i32
        %dma_start3A_10 = arith.constant 0 : i32
        %dma_start3A_11 = tpu.memref_slice %arg10[%dma_start3A, %dma_start3A_10] : memref<10240x16xf32, #tpu.memory_space<vmem_shared>> -> memref<640x16xf32, #tpu.memory_space<vmem_shared>>
        tpu.enqueue_dma source(%arg5 : memref<640x16xf32, #tpu.memory_space<hbm>>) target(%dma_start3A_11 : memref<640x16xf32, #tpu.memory_space<vmem_shared>>) target_semaphore(%run_scoped3A : memref<!tpu.dma_semaphore, #tpu.memory_space<semaphore_mem>>)
        %dma_wait3A = arith.constant 0 : i32
        %dma_wait3A_12 = arith.constant 0 : i32
        %dma_wait3A_13 = tpu.memref_slice %arg10[%dma_wait3A, %dma_wait3A_12] : memref<10240x16xf32, #tpu.memory_space<vmem_shared>> -> memref<640x16xf32, #tpu.memory_space<vmem_shared>>
        tpu.wait_dma2 semaphore(%run_scoped3A : memref<!tpu.dma_semaphore, #tpu.memory_space<semaphore_mem>>) src(%arg5 : memref<640x16xf32, #tpu.memory_space<hbm>>) dst(%dma_wait3A_13 : memref<640x16xf32, #tpu.memory_space<vmem_shared>>)
        tpu.yield
      }) : () -> ()
      "tpu.region"() ({
        %run_scoped3A = tpu.sem_alloc : memref<!tpu.dma_semaphore, #tpu.memory_space<semaphore_mem>>
        %dma_start3A = arith.constant 0 : i32
        %dma_start3A_10 = arith.constant 0 : i32
        %dma_start3A_11 = tpu.memref_slice %arg11[%dma_start3A, %dma_start3A_10] : memref<10240x16xf32, #tpu.memory_space<vmem_shared>> -> memref<640x16xf32, #tpu.memory_space<vmem_shared>>
        %dma_start3A_12 = arith.constant 0 : i32
        %dma_start3A_13 = arith.constant 0 : i32
        %dma_start3A_14 = tpu.memref_slice %arg2[%dma_start3A_12, %dma_start3A_13] : memref<10240x16xf32, #tpu.memory_space<hbm>> -> memref<640x16xf32, #tpu.memory_space<hbm>>
        tpu.enqueue_dma source(%dma_start3A_14 : memref<640x16xf32, #tpu.memory_space<hbm>>) target(%dma_start3A_11 : memref<640x16xf32, #tpu.memory_space<vmem_shared>>) target_semaphore(%run_scoped3A : memref<!tpu.dma_semaphore, #tpu.memory_space<semaphore_mem>>)
        %dma_wait3A = arith.constant 0 : i32
        %dma_wait3A_15 = arith.constant 0 : i32
        %dma_wait3A_16 = tpu.memref_slice %arg11[%dma_wait3A, %dma_wait3A_15] : memref<10240x16xf32, #tpu.memory_space<vmem_shared>> -> memref<640x16xf32, #tpu.memory_space<vmem_shared>>
        %dma_wait3A_17 = arith.constant 0 : i32
        %dma_wait3A_18 = arith.constant 0 : i32
        %dma_wait3A_19 = tpu.memref_slice %arg2[%dma_wait3A_17, %dma_wait3A_18] : memref<10240x16xf32, #tpu.memory_space<hbm>> -> memref<640x16xf32, #tpu.memory_space<hbm>>
        tpu.wait_dma2 semaphore(%run_scoped3A : memref<!tpu.dma_semaphore, #tpu.memory_space<semaphore_mem>>) src(%dma_wait3A_19 : memref<640x16xf32, #tpu.memory_space<hbm>>) dst(%dma_wait3A_16 : memref<640x16xf32, #tpu.memory_space<vmem_shared>>)
        tpu.yield
      }) : () -> ()
      "tpu.region"() ({
        %run_scoped3A = tpu.sem_alloc : memref<!tpu.dma_semaphore, #tpu.memory_space<semaphore_mem>>
        %dma_start3A = arith.constant 640 : i32
        %dma_start3A_10 = arith.constant 0 : i32
        %dma_start3A_11 = tpu.memref_slice %arg10[%dma_start3A, %dma_start3A_10] : memref<10240x16xf32, #tpu.memory_space<vmem_shared>> -> memref<640x16xf32, #tpu.memory_space<vmem_shared>>
        tpu.enqueue_dma source(%arg5 : memref<640x16xf32, #tpu.memory_space<hbm>>) target(%dma_start3A_11 : memref<640x16xf32, #tpu.memory_space<vmem_shared>>) target_semaphore(%run_scoped3A : memref<!tpu.dma_semaphore, #tpu.memory_space<semaphore_mem>>)
        %dma_wait3A = arith.constant 640 : i32
        %dma_wait3A_12 = arith.constant 0 : i32
        %dma_wait3A_13 = tpu.memref_slice %arg10[%dma_wait3A, %dma_wait3A_12] : memref<10240x16xf32, #tpu.memory_space<vmem_shared>> -> memref<640x16xf32, #tpu.memory_space<vmem_shared>>
        tpu.wait_dma2 semaphore(%run_scoped3A : memref<!tpu.dma_semaphore, #tpu.memory_space<semaphore_mem>>) src(%arg5 : memref<640x16xf32, #tpu.memory_space<hbm>>) dst(%dma_wait3A_13 : memref<640x16xf32, #tpu.memory_space<vmem_shared>>)
        tpu.yield
      }) : () -> ()
      "tpu.region"() ({
        %run_scoped3A = tpu.sem_alloc : memref<!tpu.dma_semaphore, #tpu.memory_space<semaphore_mem>>
        %dma_start3A = arith.constant 640 : i32
        %dma_start3A_10 = arith.constant 0 : i32
        %dma_start3A_11 = tpu.memref_slice %arg11[%dma_start3A, %dma_start3A_10] : memref<10240x16xf32, #tpu.memory_space<vmem_shared>> -> memref<640x16xf32, #tpu.memory_space<vmem_shared>>
        %dma_start3A_12 = arith.constant 640 : i32
        %dma_start3A_13 = arith.constant 0 : i32
        %dma_start3A_14 = tpu.memref_slice %arg2[%dma_start3A_12, %dma_start3A_13] : memref<10240x16xf32, #tpu.memory_space<hbm>> -> memref<640x16xf32, #tpu.memory_space<hbm>>
        tpu.enqueue_dma source(%dma_start3A_14 : memref<640x16xf32, #tpu.memory_space<hbm>>) target(%dma_start3A_11 : memref<640x16xf32, #tpu.memory_space<vmem_shared>>) target_semaphore(%run_scoped3A : memref<!tpu.dma_semaphore, #tpu.memory_space<semaphore_mem>>)
        %dma_wait3A = arith.constant 640 : i32
        %dma_wait3A_15 = arith.constant 0 : i32
        %dma_wait3A_16 = tpu.memref_slice %arg11[%dma_wait3A, %dma_wait3A_15] : memref<10240x16xf32, #tpu.memory_space<vmem_shared>> -> memref<640x16xf32, #tpu.memory_space<vmem_shared>>
        %dma_wait3A_17 = arith.constant 640 : i32
        %dma_wait3A_18 = arith.constant 0 : i32
        %dma_wait3A_19 = tpu.memref_slice %arg2[%dma_wait3A_17, %dma_wait3A_18] : memref<10240x16xf32, #tpu.memory_space<hbm>> -> memref<640x16xf32, #tpu.memory_space<hbm>>
        tpu.wait_dma2 semaphore(%run_scoped3A : memref<!tpu.dma_semaphore, #tpu.memory_space<semaphore_mem>>) src(%dma_wait3A_19 : memref<640x16xf32, #tpu.memory_space<hbm>>) dst(%dma_wait3A_16 : memref<640x16xf32, #tpu.memory_space<vmem_shared>>)
        tpu.yield
      }) : () -> ()
      "tpu.region"() ({
        %run_scoped3A = tpu.sem_alloc : memref<!tpu.dma_semaphore, #tpu.memory_space<semaphore_mem>>
        %dma_start3A = arith.constant 1280 : i32
        %dma_start3A_10 = arith.constant 0 : i32
        %dma_start3A_11 = tpu.memref_slice %arg10[%dma_start3A, %dma_start3A_10] : memref<10240x16xf32, #tpu.memory_space<vmem_shared>> -> memref<640x16xf32, #tpu.memory_space<vmem_shared>>
        tpu.enqueue_dma source(%arg5 : memref<640x16xf32, #tpu.memory_space<hbm>>) target(%dma_start3A_11 : memref<640x16xf32, #tpu.memory_space<vmem_shared>>) target_semaphore(%run_scoped3A : memref<!tpu.dma_semaphore, #tpu.memory_space<semaphore_mem>>)
        %dma_wait3A = arith.constant 1280 : i32
        %dma_wait3A_12 = arith.constant 0 : i32
        %dma_wait3A_13 = tpu.memref_slice %arg10[%dma_wait3A, %dma_wait3A_12] : memref<10240x16xf32, #tpu.memory_space<vmem_shared>> -> memref<640x16xf32, #tpu.memory_space<vmem_shared>>
        tpu.wait_dma2 semaphore(%run_scoped3A : memref<!tpu.dma_semaphore, #tpu.memory_space<semaphore_mem>>) src(%arg5 : memref<640x16xf32, #tpu.memory_space<hbm>>) dst(%dma_wait3A_13 : memref<640x16xf32, #tpu.memory_space<vmem_shared>>)
        tpu.yield
      }) : () -> ()
      "tpu.region"() ({
        %run_scoped3A = tpu.sem_alloc : memref<!tpu.dma_semaphore, #tpu.memory_space<semaphore_mem>>
        %dma_start3A = arith.constant 1280 : i32
        %dma_start3A_10 = arith.constant 0 : i32
        %dma_start3A_11 = tpu.memref_slice %arg11[%dma_start3A, %dma_start3A_10] : memref<10240x16xf32, #tpu.memory_space<vmem_shared>> -> memref<640x16xf32, #tpu.memory_space<vmem_shared>>
        %dma_start3A_12 = arith.constant 1280 : i32
        %dma_start3A_13 = arith.constant 0 : i32
        %dma_start3A_14 = tpu.memref_slice %arg2[%dma_start3A_12, %dma_start3A_13] : memref<10240x16xf32, #tpu.memory_space<hbm>> -> memref<640x16xf32, #tpu.memory_space<hbm>>
        tpu.enqueue_dma source(%dma_start3A_14 : memref<640x16xf32, #tpu.memory_space<hbm>>) target(%dma_start3A_11 : memref<640x16xf32, #tpu.memory_space<vmem_shared>>) target_semaphore(%run_scoped3A : memref<!tpu.dma_semaphore, #tpu.memory_space<semaphore_mem>>)
        %dma_wait3A = arith.constant 1280 : i32
        %dma_wait3A_15 = arith.constant 0 : i32
        %dma_wait3A_16 = tpu.memref_slice %arg11[%dma_wait3A, %dma_wait3A_15] : memref<10240x16xf32, #tpu.memory_space<vmem_shared>> -> memref<640x16xf32, #tpu.memory_space<vmem_shared>>
        %dma_wait3A_17 = arith.constant 1280 : i32
        %dma_wait3A_18 = arith.constant 0 : i32
        %dma_wait3A_19 = tpu.memref_slice %arg2[%dma_wait3A_17, %dma_wait3A_18] : memref<10240x16xf32, #tpu.memory_space<hbm>> -> memref<640x16xf32, #tpu.memory_space<hbm>>
        tpu.wait_dma2 semaphore(%run_scoped3A : memref<!tpu.dma_semaphore, #tpu.memory_space<semaphore_mem>>) src(%dma_wait3A_19 : memref<640x16xf32, #tpu.memory_space<hbm>>) dst(%dma_wait3A_16 : memref<640x16xf32, #tpu.memory_space<vmem_shared>>)
        tpu.yield
      }) : () -> ()
      "tpu.region"() ({
        %run_scoped3A = tpu.sem_alloc : memref<!tpu.dma_semaphore, #tpu.memory_space<semaphore_mem>>
        %dma_start3A = arith.constant 1920 : i32
        %dma_start3A_10 = arith.constant 0 : i32
        %dma_start3A_11 = tpu.memref_slice %arg10[%dma_start3A, %dma_start3A_10] : memref<10240x16xf32, #tpu.memory_space<vmem_shared>> -> memref<640x16xf32, #tpu.memory_space<vmem_shared>>
        tpu.enqueue_dma source(%arg5 : memref<640x16xf32, #tpu.memory_space<hbm>>) target(%dma_start3A_11 : memref<640x16xf32, #tpu.memory_space<vmem_shared>>) target_semaphore(%run_scoped3A : memref<!tpu.dma_semaphore, #tpu.memory_space<semaphore_mem>>)
        %dma_wait3A = arith.constant 1920 : i32
        %dma_wait3A_12 = arith.constant 0 : i32
        %dma_wait3A_13 = tpu.memref_slice %arg10[%dma_wait3A, %dma_wait3A_12] : memref<10240x16xf32, #tpu.memory_space<vmem_shared>> -> memref<640x16xf32, #tpu.memory_space<vmem_shared>>
        tpu.wait_dma2 semaphore(%run_scoped3A : memref<!tpu.dma_semaphore, #tpu.memory_space<semaphore_mem>>) src(%arg5 : memref<640x16xf32, #tpu.memory_space<hbm>>) dst(%dma_wait3A_13 : memref<640x16xf32, #tpu.memory_space<vmem_shared>>)
        tpu.yield
      }) : () -> ()
      "tpu.region"() ({
        %run_scoped3A = tpu.sem_alloc : memref<!tpu.dma_semaphore, #tpu.memory_space<semaphore_mem>>
        %dma_start3A = arith.constant 1920 : i32
        %dma_start3A_10 = arith.constant 0 : i32
        %dma_start3A_11 = tpu.memref_slice %arg11[%dma_start3A, %dma_start3A_10] : memref<10240x16xf32, #tpu.memory_space<vmem_shared>> -> memref<640x16xf32, #tpu.memory_space<vmem_shared>>
        %dma_start3A_12 = arith.constant 1920 : i32
        %dma_start3A_13 = arith.constant 0 : i32
        %dma_start3A_14 = tpu.memref_slice %arg2[%dma_start3A_12, %dma_start3A_13] : memref<10240x16xf32, #tpu.memory_space<hbm>> -> memref<640x16xf32, #tpu.memory_space<hbm>>
        tpu.enqueue_dma source(%dma_start3A_14 : memref<640x16xf32, #tpu.memory_space<hbm>>) target(%dma_start3A_11 : memref<640x16xf32, #tpu.memory_space<vmem_shared>>) target_semaphore(%run_scoped3A : memref<!tpu.dma_semaphore, #tpu.memory_space<semaphore_mem>>)
        %dma_wait3A = arith.constant 1920 : i32
        %dma_wait3A_15 = arith.constant 0 : i32
        %dma_wait3A_16 = tpu.memref_slice %arg11[%dma_wait3A, %dma_wait3A_15] : memref<10240x16xf32, #tpu.memory_space<vmem_shared>> -> memref<640x16xf32, #tpu.memory_space<vmem_shared>>
        %dma_wait3A_17 = arith.constant 1920 : i32
        %dma_wait3A_18 = arith.constant 0 : i32
        %dma_wait3A_19 = tpu.memref_slice %arg2[%dma_wait3A_17, %dma_wait3A_18] : memref<10240x16xf32, #tpu.memory_space<hbm>> -> memref<640x16xf32, #tpu.memory_space<hbm>>
        tpu.wait_dma2 semaphore(%run_scoped3A : memref<!tpu.dma_semaphore, #tpu.memory_space<semaphore_mem>>) src(%dma_wait3A_19 : memref<640x16xf32, #tpu.memory_space<hbm>>) dst(%dma_wait3A_16 : memref<640x16xf32, #tpu.memory_space<vmem_shared>>)
        tpu.yield
      }) : () -> ()
      "tpu.region"() ({
        %run_scoped3A = tpu.sem_alloc : memref<!tpu.dma_semaphore, #tpu.memory_space<semaphore_mem>>
        %dma_start3A = arith.constant 2560 : i32
        %dma_start3A_10 = arith.constant 0 : i32
        %dma_start3A_11 = tpu.memref_slice %arg10[%dma_start3A, %dma_start3A_10] : memref<10240x16xf32, #tpu.memory_space<vmem_shared>> -> memref<640x16xf32, #tpu.memory_space<vmem_shared>>
        tpu.enqueue_dma source(%arg5 : memref<640x16xf32, #tpu.memory_space<hbm>>) target(%dma_start3A_11 : memref<640x16xf32, #tpu.memory_space<vmem_shared>>) target_semaphore(%run_scoped3A : memref<!tpu.dma_semaphore, #tpu.memory_space<semaphore_mem>>)
        %dma_wait3A = arith.constant 2560 : i32
        %dma_wait3A_12 = arith.constant 0 : i32
        %dma_wait3A_13 = tpu.memref_slice %arg10[%dma_wait3A, %dma_wait3A_12] : memref<10240x16xf32, #tpu.memory_space<vmem_shared>> -> memref<640x16xf32, #tpu.memory_space<vmem_shared>>
        tpu.wait_dma2 semaphore(%run_scoped3A : memref<!tpu.dma_semaphore, #tpu.memory_space<semaphore_mem>>) src(%arg5 : memref<640x16xf32, #tpu.memory_space<hbm>>) dst(%dma_wait3A_13 : memref<640x16xf32, #tpu.memory_space<vmem_shared>>)
        tpu.yield
      }) : () -> ()
      "tpu.region"() ({
        %run_scoped3A = tpu.sem_alloc : memref<!tpu.dma_semaphore, #tpu.memory_space<semaphore_mem>>
        %dma_start3A = arith.constant 2560 : i32
        %dma_start3A_10 = arith.constant 0 : i32
        %dma_start3A_11 = tpu.memref_slice %arg11[%dma_start3A, %dma_start3A_10] : memref<10240x16xf32, #tpu.memory_space<vmem_shared>> -> memref<640x16xf32, #tpu.memory_space<vmem_shared>>
        %dma_start3A_12 = arith.constant 2560 : i32
        %dma_start3A_13 = arith.constant 0 : i32
        %dma_start3A_14 = tpu.memref_slice %arg2[%dma_start3A_12, %dma_start3A_13] : memref<10240x16xf32, #tpu.memory_space<hbm>> -> memref<640x16xf32, #tpu.memory_space<hbm>>
        tpu.enqueue_dma source(%dma_start3A_14 : memref<640x16xf32, #tpu.memory_space<hbm>>) target(%dma_start3A_11 : memref<640x16xf32, #tpu.memory_space<vmem_shared>>) target_semaphore(%run_scoped3A : memref<!tpu.dma_semaphore, #tpu.memory_space<semaphore_mem>>)
        %dma_wait3A = arith.constant 2560 : i32
        %dma_wait3A_15 = arith.constant 0 : i32
        %dma_wait3A_16 = tpu.memref_slice %arg11[%dma_wait3A, %dma_wait3A_15] : memref<10240x16xf32, #tpu.memory_space<vmem_shared>> -> memref<640x16xf32, #tpu.memory_space<vmem_shared>>
        %dma_wait3A_17 = arith.constant 2560 : i32
        %dma_wait3A_18 = arith.constant 0 : i32
        %dma_wait3A_19 = tpu.memref_slice %arg2[%dma_wait3A_17, %dma_wait3A_18] : memref<10240x16xf32, #tpu.memory_space<hbm>> -> memref<640x16xf32, #tpu.memory_space<hbm>>
        tpu.wait_dma2 semaphore(%run_scoped3A : memref<!tpu.dma_semaphore, #tpu.memory_space<semaphore_mem>>) src(%dma_wait3A_19 : memref<640x16xf32, #tpu.memory_space<hbm>>) dst(%dma_wait3A_16 : memref<640x16xf32, #tpu.memory_space<vmem_shared>>)
        tpu.yield
      }) : () -> ()
      "tpu.region"() ({
        %run_scoped3A = tpu.sem_alloc : memref<!tpu.dma_semaphore, #tpu.memory_space<semaphore_mem>>
        %dma_start3A = arith.constant 3200 : i32
        %dma_start3A_10 = arith.constant 0 : i32
        %dma_start3A_11 = tpu.memref_slice %arg10[%dma_start3A, %dma_start3A_10] : memref<10240x16xf32, #tpu.memory_space<vmem_shared>> -> memref<640x16xf32, #tpu.memory_space<vmem_shared>>
        tpu.enqueue_dma source(%arg5 : memref<640x16xf32, #tpu.memory_space<hbm>>) target(%dma_start3A_11 : memref<640x16xf32, #tpu.memory_space<vmem_shared>>) target_semaphore(%run_scoped3A : memref<!tpu.dma_semaphore, #tpu.memory_space<semaphore_mem>>)
        %dma_wait3A = arith.constant 3200 : i32
        %dma_wait3A_12 = arith.constant 0 : i32
        %dma_wait3A_13 = tpu.memref_slice %arg10[%dma_wait3A, %dma_wait3A_12] : memref<10240x16xf32, #tpu.memory_space<vmem_shared>> -> memref<640x16xf32, #tpu.memory_space<vmem_shared>>
        tpu.wait_dma2 semaphore(%run_scoped3A : memref<!tpu.dma_semaphore, #tpu.memory_space<semaphore_mem>>) src(%arg5 : memref<640x16xf32, #tpu.memory_space<hbm>>) dst(%dma_wait3A_13 : memref<640x16xf32, #tpu.memory_space<vmem_shared>>)
        tpu.yield
      }) : () -> ()
      "tpu.region"() ({
        %run_scoped3A = tpu.sem_alloc : memref<!tpu.dma_semaphore, #tpu.memory_space<semaphore_mem>>
        %dma_start3A = arith.constant 3200 : i32
        %dma_start3A_10 = arith.constant 0 : i32
        %dma_start3A_11 = tpu.memref_slice %arg11[%dma_start3A, %dma_start3A_10] : memref<10240x16xf32, #tpu.memory_space<vmem_shared>> -> memref<640x16xf32, #tpu.memory_space<vmem_shared>>
        %dma_start3A_12 = arith.constant 3200 : i32
        %dma_start3A_13 = arith.constant 0 : i32
        %dma_start3A_14 = tpu.memref_slice %arg2[%dma_start3A_12, %dma_start3A_13] : memref<10240x16xf32, #tpu.memory_space<hbm>> -> memref<640x16xf32, #tpu.memory_space<hbm>>
        tpu.enqueue_dma source(%dma_start3A_14 : memref<640x16xf32, #tpu.memory_space<hbm>>) target(%dma_start3A_11 : memref<640x16xf32, #tpu.memory_space<vmem_shared>>) target_semaphore(%run_scoped3A : memref<!tpu.dma_semaphore, #tpu.memory_space<semaphore_mem>>)
        %dma_wait3A = arith.constant 3200 : i32
        %dma_wait3A_15 = arith.constant 0 : i32
        %dma_wait3A_16 = tpu.memref_slice %arg11[%dma_wait3A, %dma_wait3A_15] : memref<10240x16xf32, #tpu.memory_space<vmem_shared>> -> memref<640x16xf32, #tpu.memory_space<vmem_shared>>
        %dma_wait3A_17 = arith.constant 3200 : i32
        %dma_wait3A_18 = arith.constant 0 : i32
        %dma_wait3A_19 = tpu.memref_slice %arg2[%dma_wait3A_17, %dma_wait3A_18] : memref<10240x16xf32, #tpu.memory_space<hbm>> -> memref<640x16xf32, #tpu.memory_space<hbm>>
        tpu.wait_dma2 semaphore(%run_scoped3A : memref<!tpu.dma_semaphore, #tpu.memory_space<semaphore_mem>>) src(%dma_wait3A_19 : memref<640x16xf32, #tpu.memory_space<hbm>>) dst(%dma_wait3A_16 : memref<640x16xf32, #tpu.memory_space<vmem_shared>>)
        tpu.yield
      }) : () -> ()
      "tpu.region"() ({
        %run_scoped3A = tpu.sem_alloc : memref<!tpu.dma_semaphore, #tpu.memory_space<semaphore_mem>>
        %dma_start3A = arith.constant 3840 : i32
        %dma_start3A_10 = arith.constant 0 : i32
        %dma_start3A_11 = tpu.memref_slice %arg10[%dma_start3A, %dma_start3A_10] : memref<10240x16xf32, #tpu.memory_space<vmem_shared>> -> memref<640x16xf32, #tpu.memory_space<vmem_shared>>
        tpu.enqueue_dma source(%arg5 : memref<640x16xf32, #tpu.memory_space<hbm>>) target(%dma_start3A_11 : memref<640x16xf32, #tpu.memory_space<vmem_shared>>) target_semaphore(%run_scoped3A : memref<!tpu.dma_semaphore, #tpu.memory_space<semaphore_mem>>)
        %dma_wait3A = arith.constant 3840 : i32
        %dma_wait3A_12 = arith.constant 0 : i32
        %dma_wait3A_13 = tpu.memref_slice %arg10[%dma_wait3A, %dma_wait3A_12] : memref<10240x16xf32, #tpu.memory_space<vmem_shared>> -> memref<640x16xf32, #tpu.memory_space<vmem_shared>>
        tpu.wait_dma2 semaphore(%run_scoped3A : memref<!tpu.dma_semaphore, #tpu.memory_space<semaphore_mem>>) src(%arg5 : memref<640x16xf32, #tpu.memory_space<hbm>>) dst(%dma_wait3A_13 : memref<640x16xf32, #tpu.memory_space<vmem_shared>>)
        tpu.yield
      }) : () -> ()
      "tpu.region"() ({
        %run_scoped3A = tpu.sem_alloc : memref<!tpu.dma_semaphore, #tpu.memory_space<semaphore_mem>>
        %dma_start3A = arith.constant 3840 : i32
        %dma_start3A_10 = arith.constant 0 : i32
        %dma_start3A_11 = tpu.memref_slice %arg11[%dma_start3A, %dma_start3A_10] : memref<10240x16xf32, #tpu.memory_space<vmem_shared>> -> memref<640x16xf32, #tpu.memory_space<vmem_shared>>
        %dma_start3A_12 = arith.constant 3840 : i32
        %dma_start3A_13 = arith.constant 0 : i32
        %dma_start3A_14 = tpu.memref_slice %arg2[%dma_start3A_12, %dma_start3A_13] : memref<10240x16xf32, #tpu.memory_space<hbm>> -> memref<640x16xf32, #tpu.memory_space<hbm>>
        tpu.enqueue_dma source(%dma_start3A_14 : memref<640x16xf32, #tpu.memory_space<hbm>>) target(%dma_start3A_11 : memref<640x16xf32, #tpu.memory_space<vmem_shared>>) target_semaphore(%run_scoped3A : memref<!tpu.dma_semaphore, #tpu.memory_space<semaphore_mem>>)
        %dma_wait3A = arith.constant 3840 : i32
        %dma_wait3A_15 = arith.constant 0 : i32
        %dma_wait3A_16 = tpu.memref_slice %arg11[%dma_wait3A, %dma_wait3A_15] : memref<10240x16xf32, #tpu.memory_space<vmem_shared>> -> memref<640x16xf32, #tpu.memory_space<vmem_shared>>
        %dma_wait3A_17 = arith.constant 3840 : i32
        %dma_wait3A_18 = arith.constant 0 : i32
        %dma_wait3A_19 = tpu.memref_slice %arg2[%dma_wait3A_17, %dma_wait3A_18] : memref<10240x16xf32, #tpu.memory_space<hbm>> -> memref<640x16xf32, #tpu.memory_space<hbm>>
        tpu.wait_dma2 semaphore(%run_scoped3A : memref<!tpu.dma_semaphore, #tpu.memory_space<semaphore_mem>>) src(%dma_wait3A_19 : memref<640x16xf32, #tpu.memory_space<hbm>>) dst(%dma_wait3A_16 : memref<640x16xf32, #tpu.memory_space<vmem_shared>>)
        tpu.yield
      }) : () -> ()
      "tpu.region"() ({
        %run_scoped3A = tpu.sem_alloc : memref<!tpu.dma_semaphore, #tpu.memory_space<semaphore_mem>>
        %dma_start3A = arith.constant 4480 : i32
        %dma_start3A_10 = arith.constant 0 : i32
        %dma_start3A_11 = tpu.memref_slice %arg10[%dma_start3A, %dma_start3A_10] : memref<10240x16xf32, #tpu.memory_space<vmem_shared>> -> memref<640x16xf32, #tpu.memory_space<vmem_shared>>
        tpu.enqueue_dma source(%arg5 : memref<640x16xf32, #tpu.memory_space<hbm>>) target(%dma_start3A_11 : memref<640x16xf32, #tpu.memory_space<vmem_shared>>) target_semaphore(%run_scoped3A : memref<!tpu.dma_semaphore, #tpu.memory_space<semaphore_mem>>)
        %dma_wait3A = arith.constant 4480 : i32
        %dma_wait3A_12 = arith.constant 0 : i32
        %dma_wait3A_13 = tpu.memref_slice %arg10[%dma_wait3A, %dma_wait3A_12] : memref<10240x16xf32, #tpu.memory_space<vmem_shared>> -> memref<640x16xf32, #tpu.memory_space<vmem_shared>>
        tpu.wait_dma2 semaphore(%run_scoped3A : memref<!tpu.dma_semaphore, #tpu.memory_space<semaphore_mem>>) src(%arg5 : memref<640x16xf32, #tpu.memory_space<hbm>>) dst(%dma_wait3A_13 : memref<640x16xf32, #tpu.memory_space<vmem_shared>>)
        tpu.yield
      }) : () -> ()
      "tpu.region"() ({
        %run_scoped3A = tpu.sem_alloc : memref<!tpu.dma_semaphore, #tpu.memory_space<semaphore_mem>>
        %dma_start3A = arith.constant 4480 : i32
        %dma_start3A_10 = arith.constant 0 : i32
        %dma_start3A_11 = tpu.memref_slice %arg11[%dma_start3A, %dma_start3A_10] : memref<10240x16xf32, #tpu.memory_space<vmem_shared>> -> memref<640x16xf32, #tpu.memory_space<vmem_shared>>
        %dma_start3A_12 = arith.constant 4480 : i32
        %dma_start3A_13 = arith.constant 0 : i32
        %dma_start3A_14 = tpu.memref_slice %arg2[%dma_start3A_12, %dma_start3A_13] : memref<10240x16xf32, #tpu.memory_space<hbm>> -> memref<640x16xf32, #tpu.memory_space<hbm>>
        tpu.enqueue_dma source(%dma_start3A_14 : memref<640x16xf32, #tpu.memory_space<hbm>>) target(%dma_start3A_11 : memref<640x16xf32, #tpu.memory_space<vmem_shared>>) target_semaphore(%run_scoped3A : memref<!tpu.dma_semaphore, #tpu.memory_space<semaphore_mem>>)
        %dma_wait3A = arith.constant 4480 : i32
        %dma_wait3A_15 = arith.constant 0 : i32
        %dma_wait3A_16 = tpu.memref_slice %arg11[%dma_wait3A, %dma_wait3A_15] : memref<10240x16xf32, #tpu.memory_space<vmem_shared>> -> memref<640x16xf32, #tpu.memory_space<vmem_shared>>
        %dma_wait3A_17 = arith.constant 4480 : i32
        %dma_wait3A_18 = arith.constant 0 : i32
        %dma_wait3A_19 = tpu.memref_slice %arg2[%dma_wait3A_17, %dma_wait3A_18] : memref<10240x16xf32, #tpu.memory_space<hbm>> -> memref<640x16xf32, #tpu.memory_space<hbm>>
        tpu.wait_dma2 semaphore(%run_scoped3A : memref<!tpu.dma_semaphore, #tpu.memory_space<semaphore_mem>>) src(%dma_wait3A_19 : memref<640x16xf32, #tpu.memory_space<hbm>>) dst(%dma_wait3A_16 : memref<640x16xf32, #tpu.memory_space<vmem_shared>>)
        tpu.yield
      }) : () -> ()
      "tpu.region"() ({
        %run_scoped3A = tpu.sem_alloc : memref<!tpu.dma_semaphore, #tpu.memory_space<semaphore_mem>>
        %dma_start3A = arith.constant 5120 : i32
        %dma_start3A_10 = arith.constant 0 : i32
        %dma_start3A_11 = tpu.memref_slice %arg10[%dma_start3A, %dma_start3A_10] : memref<10240x16xf32, #tpu.memory_space<vmem_shared>> -> memref<640x16xf32, #tpu.memory_space<vmem_shared>>
        tpu.enqueue_dma source(%arg5 : memref<640x16xf32, #tpu.memory_space<hbm>>) target(%dma_start3A_11 : memref<640x16xf32, #tpu.memory_space<vmem_shared>>) target_semaphore(%run_scoped3A : memref<!tpu.dma_semaphore, #tpu.memory_space<semaphore_mem>>)
        %dma_wait3A = arith.constant 5120 : i32
        %dma_wait3A_12 = arith.constant 0 : i32
        %dma_wait3A_13 = tpu.memref_slice %arg10[%dma_wait3A, %dma_wait3A_12] : memref<10240x16xf32, #tpu.memory_space<vmem_shared>> -> memref<640x16xf32, #tpu.memory_space<vmem_shared>>
        tpu.wait_dma2 semaphore(%run_scoped3A : memref<!tpu.dma_semaphore, #tpu.memory_space<semaphore_mem>>) src(%arg5 : memref<640x16xf32, #tpu.memory_space<hbm>>) dst(%dma_wait3A_13 : memref<640x16xf32, #tpu.memory_space<vmem_shared>>)
        tpu.yield
      }) : () -> ()
      "tpu.region"() ({
        %run_scoped3A = tpu.sem_alloc : memref<!tpu.dma_semaphore, #tpu.memory_space<semaphore_mem>>
        %dma_start3A = arith.constant 5120 : i32
        %dma_start3A_10 = arith.constant 0 : i32
        %dma_start3A_11 = tpu.memref_slice %arg11[%dma_start3A, %dma_start3A_10] : memref<10240x16xf32, #tpu.memory_space<vmem_shared>> -> memref<640x16xf32, #tpu.memory_space<vmem_shared>>
        %dma_start3A_12 = arith.constant 5120 : i32
        %dma_start3A_13 = arith.constant 0 : i32
        %dma_start3A_14 = tpu.memref_slice %arg2[%dma_start3A_12, %dma_start3A_13] : memref<10240x16xf32, #tpu.memory_space<hbm>> -> memref<640x16xf32, #tpu.memory_space<hbm>>
        tpu.enqueue_dma source(%dma_start3A_14 : memref<640x16xf32, #tpu.memory_space<hbm>>) target(%dma_start3A_11 : memref<640x16xf32, #tpu.memory_space<vmem_shared>>) target_semaphore(%run_scoped3A : memref<!tpu.dma_semaphore, #tpu.memory_space<semaphore_mem>>)
        %dma_wait3A = arith.constant 5120 : i32
        %dma_wait3A_15 = arith.constant 0 : i32
        %dma_wait3A_16 = tpu.memref_slice %arg11[%dma_wait3A, %dma_wait3A_15] : memref<10240x16xf32, #tpu.memory_space<vmem_shared>> -> memref<640x16xf32, #tpu.memory_space<vmem_shared>>
        %dma_wait3A_17 = arith.constant 5120 : i32
        %dma_wait3A_18 = arith.constant 0 : i32
        %dma_wait3A_19 = tpu.memref_slice %arg2[%dma_wait3A_17, %dma_wait3A_18] : memref<10240x16xf32, #tpu.memory_space<hbm>> -> memref<640x16xf32, #tpu.memory_space<hbm>>
        tpu.wait_dma2 semaphore(%run_scoped3A : memref<!tpu.dma_semaphore, #tpu.memory_space<semaphore_mem>>) src(%dma_wait3A_19 : memref<640x16xf32, #tpu.memory_space<hbm>>) dst(%dma_wait3A_16 : memref<640x16xf32, #tpu.memory_space<vmem_shared>>)
        tpu.yield
      }) : () -> ()
      "tpu.region"() ({
        %run_scoped3A = tpu.sem_alloc : memref<!tpu.dma_semaphore, #tpu.memory_space<semaphore_mem>>
        %dma_start3A = arith.constant 5760 : i32
        %dma_start3A_10 = arith.constant 0 : i32
        %dma_start3A_11 = tpu.memref_slice %arg10[%dma_start3A, %dma_start3A_10] : memref<10240x16xf32, #tpu.memory_space<vmem_shared>> -> memref<640x16xf32, #tpu.memory_space<vmem_shared>>
        tpu.enqueue_dma source(%arg5 : memref<640x16xf32, #tpu.memory_space<hbm>>) target(%dma_start3A_11 : memref<640x16xf32, #tpu.memory_space<vmem_shared>>) target_semaphore(%run_scoped3A : memref<!tpu.dma_semaphore, #tpu.memory_space<semaphore_mem>>)
        %dma_wait3A = arith.constant 5760 : i32
        %dma_wait3A_12 = arith.constant 0 : i32
        %dma_wait3A_13 = tpu.memref_slice %arg10[%dma_wait3A, %dma_wait3A_12] : memref<10240x16xf32, #tpu.memory_space<vmem_shared>> -> memref<640x16xf32, #tpu.memory_space<vmem_shared>>
        tpu.wait_dma2 semaphore(%run_scoped3A : memref<!tpu.dma_semaphore, #tpu.memory_space<semaphore_mem>>) src(%arg5 : memref<640x16xf32, #tpu.memory_space<hbm>>) dst(%dma_wait3A_13 : memref<640x16xf32, #tpu.memory_space<vmem_shared>>)
        tpu.yield
      }) : () -> ()
      "tpu.region"() ({
        %run_scoped3A = tpu.sem_alloc : memref<!tpu.dma_semaphore, #tpu.memory_space<semaphore_mem>>
        %dma_start3A = arith.constant 5760 : i32
        %dma_start3A_10 = arith.constant 0 : i32
        %dma_start3A_11 = tpu.memref_slice %arg11[%dma_start3A, %dma_start3A_10] : memref<10240x16xf32, #tpu.memory_space<vmem_shared>> -> memref<640x16xf32, #tpu.memory_space<vmem_shared>>
        %dma_start3A_12 = arith.constant 5760 : i32
        %dma_start3A_13 = arith.constant 0 : i32
        %dma_start3A_14 = tpu.memref_slice %arg2[%dma_start3A_12, %dma_start3A_13] : memref<10240x16xf32, #tpu.memory_space<hbm>> -> memref<640x16xf32, #tpu.memory_space<hbm>>
        tpu.enqueue_dma source(%dma_start3A_14 : memref<640x16xf32, #tpu.memory_space<hbm>>) target(%dma_start3A_11 : memref<640x16xf32, #tpu.memory_space<vmem_shared>>) target_semaphore(%run_scoped3A : memref<!tpu.dma_semaphore, #tpu.memory_space<semaphore_mem>>)
        %dma_wait3A = arith.constant 5760 : i32
        %dma_wait3A_15 = arith.constant 0 : i32
        %dma_wait3A_16 = tpu.memref_slice %arg11[%dma_wait3A, %dma_wait3A_15] : memref<10240x16xf32, #tpu.memory_space<vmem_shared>> -> memref<640x16xf32, #tpu.memory_space<vmem_shared>>
        %dma_wait3A_17 = arith.constant 5760 : i32
        %dma_wait3A_18 = arith.constant 0 : i32
        %dma_wait3A_19 = tpu.memref_slice %arg2[%dma_wait3A_17, %dma_wait3A_18] : memref<10240x16xf32, #tpu.memory_space<hbm>> -> memref<640x16xf32, #tpu.memory_space<hbm>>
        tpu.wait_dma2 semaphore(%run_scoped3A : memref<!tpu.dma_semaphore, #tpu.memory_space<semaphore_mem>>) src(%dma_wait3A_19 : memref<640x16xf32, #tpu.memory_space<hbm>>) dst(%dma_wait3A_16 : memref<640x16xf32, #tpu.memory_space<vmem_shared>>)
        tpu.yield
      }) : () -> ()
      "tpu.region"() ({
        %run_scoped3A = tpu.sem_alloc : memref<!tpu.dma_semaphore, #tpu.memory_space<semaphore_mem>>
        %dma_start3A = arith.constant 6400 : i32
        %dma_start3A_10 = arith.constant 0 : i32
        %dma_start3A_11 = tpu.memref_slice %arg10[%dma_start3A, %dma_start3A_10] : memref<10240x16xf32, #tpu.memory_space<vmem_shared>> -> memref<640x16xf32, #tpu.memory_space<vmem_shared>>
        tpu.enqueue_dma source(%arg5 : memref<640x16xf32, #tpu.memory_space<hbm>>) target(%dma_start3A_11 : memref<640x16xf32, #tpu.memory_space<vmem_shared>>) target_semaphore(%run_scoped3A : memref<!tpu.dma_semaphore, #tpu.memory_space<semaphore_mem>>)
        %dma_wait3A = arith.constant 6400 : i32
        %dma_wait3A_12 = arith.constant 0 : i32
        %dma_wait3A_13 = tpu.memref_slice %arg10[%dma_wait3A, %dma_wait3A_12] : memref<10240x16xf32, #tpu.memory_space<vmem_shared>> -> memref<640x16xf32, #tpu.memory_space<vmem_shared>>
        tpu.wait_dma2 semaphore(%run_scoped3A : memref<!tpu.dma_semaphore, #tpu.memory_space<semaphore_mem>>) src(%arg5 : memref<640x16xf32, #tpu.memory_space<hbm>>) dst(%dma_wait3A_13 : memref<640x16xf32, #tpu.memory_space<vmem_shared>>)
        tpu.yield
      }) : () -> ()
      "tpu.region"() ({
        %run_scoped3A = tpu.sem_alloc : memref<!tpu.dma_semaphore, #tpu.memory_space<semaphore_mem>>
        %dma_start3A = arith.constant 6400 : i32
        %dma_start3A_10 = arith.constant 0 : i32
        %dma_start3A_11 = tpu.memref_slice %arg11[%dma_start3A, %dma_start3A_10] : memref<10240x16xf32, #tpu.memory_space<vmem_shared>> -> memref<640x16xf32, #tpu.memory_space<vmem_shared>>
        %dma_start3A_12 = arith.constant 6400 : i32
        %dma_start3A_13 = arith.constant 0 : i32
        %dma_start3A_14 = tpu.memref_slice %arg2[%dma_start3A_12, %dma_start3A_13] : memref<10240x16xf32, #tpu.memory_space<hbm>> -> memref<640x16xf32, #tpu.memory_space<hbm>>
        tpu.enqueue_dma source(%dma_start3A_14 : memref<640x16xf32, #tpu.memory_space<hbm>>) target(%dma_start3A_11 : memref<640x16xf32, #tpu.memory_space<vmem_shared>>) target_semaphore(%run_scoped3A : memref<!tpu.dma_semaphore, #tpu.memory_space<semaphore_mem>>)
        %dma_wait3A = arith.constant 6400 : i32
        %dma_wait3A_15 = arith.constant 0 : i32
        %dma_wait3A_16 = tpu.memref_slice %arg11[%dma_wait3A, %dma_wait3A_15] : memref<10240x16xf32, #tpu.memory_space<vmem_shared>> -> memref<640x16xf32, #tpu.memory_space<vmem_shared>>
        %dma_wait3A_17 = arith.constant 6400 : i32
        %dma_wait3A_18 = arith.constant 0 : i32
        %dma_wait3A_19 = tpu.memref_slice %arg2[%dma_wait3A_17, %dma_wait3A_18] : memref<10240x16xf32, #tpu.memory_space<hbm>> -> memref<640x16xf32, #tpu.memory_space<hbm>>
        tpu.wait_dma2 semaphore(%run_scoped3A : memref<!tpu.dma_semaphore, #tpu.memory_space<semaphore_mem>>) src(%dma_wait3A_19 : memref<640x16xf32, #tpu.memory_space<hbm>>) dst(%dma_wait3A_16 : memref<640x16xf32, #tpu.memory_space<vmem_shared>>)
        tpu.yield
      }) : () -> ()
      "tpu.region"() ({
        %run_scoped3A = tpu.sem_alloc : memref<!tpu.dma_semaphore, #tpu.memory_space<semaphore_mem>>
        %dma_start3A = arith.constant 7040 : i32
        %dma_start3A_10 = arith.constant 0 : i32
        %dma_start3A_11 = tpu.memref_slice %arg10[%dma_start3A, %dma_start3A_10] : memref<10240x16xf32, #tpu.memory_space<vmem_shared>> -> memref<640x16xf32, #tpu.memory_space<vmem_shared>>
        tpu.enqueue_dma source(%arg5 : memref<640x16xf32, #tpu.memory_space<hbm>>) target(%dma_start3A_11 : memref<640x16xf32, #tpu.memory_space<vmem_shared>>) target_semaphore(%run_scoped3A : memref<!tpu.dma_semaphore, #tpu.memory_space<semaphore_mem>>)
        %dma_wait3A = arith.constant 7040 : i32
        %dma_wait3A_12 = arith.constant 0 : i32
        %dma_wait3A_13 = tpu.memref_slice %arg10[%dma_wait3A, %dma_wait3A_12] : memref<10240x16xf32, #tpu.memory_space<vmem_shared>> -> memref<640x16xf32, #tpu.memory_space<vmem_shared>>
        tpu.wait_dma2 semaphore(%run_scoped3A : memref<!tpu.dma_semaphore, #tpu.memory_space<semaphore_mem>>) src(%arg5 : memref<640x16xf32, #tpu.memory_space<hbm>>) dst(%dma_wait3A_13 : memref<640x16xf32, #tpu.memory_space<vmem_shared>>)
        tpu.yield
      }) : () -> ()
      "tpu.region"() ({
        %run_scoped3A = tpu.sem_alloc : memref<!tpu.dma_semaphore, #tpu.memory_space<semaphore_mem>>
        %dma_start3A = arith.constant 7040 : i32
        %dma_start3A_10 = arith.constant 0 : i32
        %dma_start3A_11 = tpu.memref_slice %arg11[%dma_start3A, %dma_start3A_10] : memref<10240x16xf32, #tpu.memory_space<vmem_shared>> -> memref<640x16xf32, #tpu.memory_space<vmem_shared>>
        %dma_start3A_12 = arith.constant 7040 : i32
        %dma_start3A_13 = arith.constant 0 : i32
        %dma_start3A_14 = tpu.memref_slice %arg2[%dma_start3A_12, %dma_start3A_13] : memref<10240x16xf32, #tpu.memory_space<hbm>> -> memref<640x16xf32, #tpu.memory_space<hbm>>
        tpu.enqueue_dma source(%dma_start3A_14 : memref<640x16xf32, #tpu.memory_space<hbm>>) target(%dma_start3A_11 : memref<640x16xf32, #tpu.memory_space<vmem_shared>>) target_semaphore(%run_scoped3A : memref<!tpu.dma_semaphore, #tpu.memory_space<semaphore_mem>>)
        %dma_wait3A = arith.constant 7040 : i32
        %dma_wait3A_15 = arith.constant 0 : i32
        %dma_wait3A_16 = tpu.memref_slice %arg11[%dma_wait3A, %dma_wait3A_15] : memref<10240x16xf32, #tpu.memory_space<vmem_shared>> -> memref<640x16xf32, #tpu.memory_space<vmem_shared>>
        %dma_wait3A_17 = arith.constant 7040 : i32
        %dma_wait3A_18 = arith.constant 0 : i32
        %dma_wait3A_19 = tpu.memref_slice %arg2[%dma_wait3A_17, %dma_wait3A_18] : memref<10240x16xf32, #tpu.memory_space<hbm>> -> memref<640x16xf32, #tpu.memory_space<hbm>>
        tpu.wait_dma2 semaphore(%run_scoped3A : memref<!tpu.dma_semaphore, #tpu.memory_space<semaphore_mem>>) src(%dma_wait3A_19 : memref<640x16xf32, #tpu.memory_space<hbm>>) dst(%dma_wait3A_16 : memref<640x16xf32, #tpu.memory_space<vmem_shared>>)
        tpu.yield
      }) : () -> ()
      "tpu.region"() ({
        %run_scoped3A = tpu.sem_alloc : memref<!tpu.dma_semaphore, #tpu.memory_space<semaphore_mem>>
        %dma_start3A = arith.constant 7680 : i32
        %dma_start3A_10 = arith.constant 0 : i32
        %dma_start3A_11 = tpu.memref_slice %arg10[%dma_start3A, %dma_start3A_10] : memref<10240x16xf32, #tpu.memory_space<vmem_shared>> -> memref<640x16xf32, #tpu.memory_space<vmem_shared>>
        tpu.enqueue_dma source(%arg5 : memref<640x16xf32, #tpu.memory_space<hbm>>) target(%dma_start3A_11 : memref<640x16xf32, #tpu.memory_space<vmem_shared>>) target_semaphore(%run_scoped3A : memref<!tpu.dma_semaphore, #tpu.memory_space<semaphore_mem>>)
        %dma_wait3A = arith.constant 7680 : i32
        %dma_wait3A_12 = arith.constant 0 : i32
        %dma_wait3A_13 = tpu.memref_slice %arg10[%dma_wait3A, %dma_wait3A_12] : memref<10240x16xf32, #tpu.memory_space<vmem_shared>> -> memref<640x16xf32, #tpu.memory_space<vmem_shared>>
        tpu.wait_dma2 semaphore(%run_scoped3A : memref<!tpu.dma_semaphore, #tpu.memory_space<semaphore_mem>>) src(%arg5 : memref<640x16xf32, #tpu.memory_space<hbm>>) dst(%dma_wait3A_13 : memref<640x16xf32, #tpu.memory_space<vmem_shared>>)
        tpu.yield
      }) : () -> ()
      "tpu.region"() ({
        %run_scoped3A = tpu.sem_alloc : memref<!tpu.dma_semaphore, #tpu.memory_space<semaphore_mem>>
        %dma_start3A = arith.constant 7680 : i32
        %dma_start3A_10 = arith.constant 0 : i32
        %dma_start3A_11 = tpu.memref_slice %arg11[%dma_start3A, %dma_start3A_10] : memref<10240x16xf32, #tpu.memory_space<vmem_shared>> -> memref<640x16xf32, #tpu.memory_space<vmem_shared>>
        %dma_start3A_12 = arith.constant 7680 : i32
        %dma_start3A_13 = arith.constant 0 : i32
        %dma_start3A_14 = tpu.memref_slice %arg2[%dma_start3A_12, %dma_start3A_13] : memref<10240x16xf32, #tpu.memory_space<hbm>> -> memref<640x16xf32, #tpu.memory_space<hbm>>
        tpu.enqueue_dma source(%dma_start3A_14 : memref<640x16xf32, #tpu.memory_space<hbm>>) target(%dma_start3A_11 : memref<640x16xf32, #tpu.memory_space<vmem_shared>>) target_semaphore(%run_scoped3A : memref<!tpu.dma_semaphore, #tpu.memory_space<semaphore_mem>>)
        %dma_wait3A = arith.constant 7680 : i32
        %dma_wait3A_15 = arith.constant 0 : i32
        %dma_wait3A_16 = tpu.memref_slice %arg11[%dma_wait3A, %dma_wait3A_15] : memref<10240x16xf32, #tpu.memory_space<vmem_shared>> -> memref<640x16xf32, #tpu.memory_space<vmem_shared>>
        %dma_wait3A_17 = arith.constant 7680 : i32
        %dma_wait3A_18 = arith.constant 0 : i32
        %dma_wait3A_19 = tpu.memref_slice %arg2[%dma_wait3A_17, %dma_wait3A_18] : memref<10240x16xf32, #tpu.memory_space<hbm>> -> memref<640x16xf32, #tpu.memory_space<hbm>>
        tpu.wait_dma2 semaphore(%run_scoped3A : memref<!tpu.dma_semaphore, #tpu.memory_space<semaphore_mem>>) src(%dma_wait3A_19 : memref<640x16xf32, #tpu.memory_space<hbm>>) dst(%dma_wait3A_16 : memref<640x16xf32, #tpu.memory_space<vmem_shared>>)
        tpu.yield
      }) : () -> ()
      "tpu.region"() ({
        %run_scoped3A = tpu.sem_alloc : memref<!tpu.dma_semaphore, #tpu.memory_space<semaphore_mem>>
        %dma_start3A = arith.constant 8320 : i32
        %dma_start3A_10 = arith.constant 0 : i32
        %dma_start3A_11 = tpu.memref_slice %arg10[%dma_start3A, %dma_start3A_10] : memref<10240x16xf32, #tpu.memory_space<vmem_shared>> -> memref<640x16xf32, #tpu.memory_space<vmem_shared>>
        tpu.enqueue_dma source(%arg5 : memref<640x16xf32, #tpu.memory_space<hbm>>) target(%dma_start3A_11 : memref<640x16xf32, #tpu.memory_space<vmem_shared>>) target_semaphore(%run_scoped3A : memref<!tpu.dma_semaphore, #tpu.memory_space<semaphore_mem>>)
        %dma_wait3A = arith.constant 8320 : i32
        %dma_wait3A_12 = arith.constant 0 : i32
        %dma_wait3A_13 = tpu.memref_slice %arg10[%dma_wait3A, %dma_wait3A_12] : memref<10240x16xf32, #tpu.memory_space<vmem_shared>> -> memref<640x16xf32, #tpu.memory_space<vmem_shared>>
        tpu.wait_dma2 semaphore(%run_scoped3A : memref<!tpu.dma_semaphore, #tpu.memory_space<semaphore_mem>>) src(%arg5 : memref<640x16xf32, #tpu.memory_space<hbm>>) dst(%dma_wait3A_13 : memref<640x16xf32, #tpu.memory_space<vmem_shared>>)
        tpu.yield
      }) : () -> ()
      "tpu.region"() ({
        %run_scoped3A = tpu.sem_alloc : memref<!tpu.dma_semaphore, #tpu.memory_space<semaphore_mem>>
        %dma_start3A = arith.constant 8320 : i32
        %dma_start3A_10 = arith.constant 0 : i32
        %dma_start3A_11 = tpu.memref_slice %arg11[%dma_start3A, %dma_start3A_10] : memref<10240x16xf32, #tpu.memory_space<vmem_shared>> -> memref<640x16xf32, #tpu.memory_space<vmem_shared>>
        %dma_start3A_12 = arith.constant 8320 : i32
        %dma_start3A_13 = arith.constant 0 : i32
        %dma_start3A_14 = tpu.memref_slice %arg2[%dma_start3A_12, %dma_start3A_13] : memref<10240x16xf32, #tpu.memory_space<hbm>> -> memref<640x16xf32, #tpu.memory_space<hbm>>
        tpu.enqueue_dma source(%dma_start3A_14 : memref<640x16xf32, #tpu.memory_space<hbm>>) target(%dma_start3A_11 : memref<640x16xf32, #tpu.memory_space<vmem_shared>>) target_semaphore(%run_scoped3A : memref<!tpu.dma_semaphore, #tpu.memory_space<semaphore_mem>>)
        %dma_wait3A = arith.constant 8320 : i32
        %dma_wait3A_15 = arith.constant 0 : i32
        %dma_wait3A_16 = tpu.memref_slice %arg11[%dma_wait3A, %dma_wait3A_15] : memref<10240x16xf32, #tpu.memory_space<vmem_shared>> -> memref<640x16xf32, #tpu.memory_space<vmem_shared>>
        %dma_wait3A_17 = arith.constant 8320 : i32
        %dma_wait3A_18 = arith.constant 0 : i32
        %dma_wait3A_19 = tpu.memref_slice %arg2[%dma_wait3A_17, %dma_wait3A_18] : memref<10240x16xf32, #tpu.memory_space<hbm>> -> memref<640x16xf32, #tpu.memory_space<hbm>>
        tpu.wait_dma2 semaphore(%run_scoped3A : memref<!tpu.dma_semaphore, #tpu.memory_space<semaphore_mem>>) src(%dma_wait3A_19 : memref<640x16xf32, #tpu.memory_space<hbm>>) dst(%dma_wait3A_16 : memref<640x16xf32, #tpu.memory_space<vmem_shared>>)
        tpu.yield
      }) : () -> ()
      "tpu.region"() ({
        %run_scoped3A = tpu.sem_alloc : memref<!tpu.dma_semaphore, #tpu.memory_space<semaphore_mem>>
        %dma_start3A = arith.constant 8960 : i32
        %dma_start3A_10 = arith.constant 0 : i32
        %dma_start3A_11 = tpu.memref_slice %arg10[%dma_start3A, %dma_start3A_10] : memref<10240x16xf32, #tpu.memory_space<vmem_shared>> -> memref<640x16xf32, #tpu.memory_space<vmem_shared>>
        tpu.enqueue_dma source(%arg5 : memref<640x16xf32, #tpu.memory_space<hbm>>) target(%dma_start3A_11 : memref<640x16xf32, #tpu.memory_space<vmem_shared>>) target_semaphore(%run_scoped3A : memref<!tpu.dma_semaphore, #tpu.memory_space<semaphore_mem>>)
        %dma_wait3A = arith.constant 8960 : i32
        %dma_wait3A_12 = arith.constant 0 : i32
        %dma_wait3A_13 = tpu.memref_slice %arg10[%dma_wait3A, %dma_wait3A_12] : memref<10240x16xf32, #tpu.memory_space<vmem_shared>> -> memref<640x16xf32, #tpu.memory_space<vmem_shared>>
        tpu.wait_dma2 semaphore(%run_scoped3A : memref<!tpu.dma_semaphore, #tpu.memory_space<semaphore_mem>>) src(%arg5 : memref<640x16xf32, #tpu.memory_space<hbm>>) dst(%dma_wait3A_13 : memref<640x16xf32, #tpu.memory_space<vmem_shared>>)
        tpu.yield
      }) : () -> ()
      "tpu.region"() ({
        %run_scoped3A = tpu.sem_alloc : memref<!tpu.dma_semaphore, #tpu.memory_space<semaphore_mem>>
        %dma_start3A = arith.constant 8960 : i32
        %dma_start3A_10 = arith.constant 0 : i32
        %dma_start3A_11 = tpu.memref_slice %arg11[%dma_start3A, %dma_start3A_10] : memref<10240x16xf32, #tpu.memory_space<vmem_shared>> -> memref<640x16xf32, #tpu.memory_space<vmem_shared>>
        %dma_start3A_12 = arith.constant 8960 : i32
        %dma_start3A_13 = arith.constant 0 : i32
        %dma_start3A_14 = tpu.memref_slice %arg2[%dma_start3A_12, %dma_start3A_13] : memref<10240x16xf32, #tpu.memory_space<hbm>> -> memref<640x16xf32, #tpu.memory_space<hbm>>
        tpu.enqueue_dma source(%dma_start3A_14 : memref<640x16xf32, #tpu.memory_space<hbm>>) target(%dma_start3A_11 : memref<640x16xf32, #tpu.memory_space<vmem_shared>>) target_semaphore(%run_scoped3A : memref<!tpu.dma_semaphore, #tpu.memory_space<semaphore_mem>>)
        %dma_wait3A = arith.constant 8960 : i32
        %dma_wait3A_15 = arith.constant 0 : i32
        %dma_wait3A_16 = tpu.memref_slice %arg11[%dma_wait3A, %dma_wait3A_15] : memref<10240x16xf32, #tpu.memory_space<vmem_shared>> -> memref<640x16xf32, #tpu.memory_space<vmem_shared>>
        %dma_wait3A_17 = arith.constant 8960 : i32
        %dma_wait3A_18 = arith.constant 0 : i32
        %dma_wait3A_19 = tpu.memref_slice %arg2[%dma_wait3A_17, %dma_wait3A_18] : memref<10240x16xf32, #tpu.memory_space<hbm>> -> memref<640x16xf32, #tpu.memory_space<hbm>>
        tpu.wait_dma2 semaphore(%run_scoped3A : memref<!tpu.dma_semaphore, #tpu.memory_space<semaphore_mem>>) src(%dma_wait3A_19 : memref<640x16xf32, #tpu.memory_space<hbm>>) dst(%dma_wait3A_16 : memref<640x16xf32, #tpu.memory_space<vmem_shared>>)
        tpu.yield
      }) : () -> ()
      "tpu.region"() ({
        %run_scoped3A = tpu.sem_alloc : memref<!tpu.dma_semaphore, #tpu.memory_space<semaphore_mem>>
        %dma_start3A = arith.constant 9600 : i32
        %dma_start3A_10 = arith.constant 0 : i32
        %dma_start3A_11 = tpu.memref_slice %arg10[%dma_start3A, %dma_start3A_10] : memref<10240x16xf32, #tpu.memory_space<vmem_shared>> -> memref<640x16xf32, #tpu.memory_space<vmem_shared>>
        tpu.enqueue_dma source(%arg5 : memref<640x16xf32, #tpu.memory_space<hbm>>) target(%dma_start3A_11 : memref<640x16xf32, #tpu.memory_space<vmem_shared>>) target_semaphore(%run_scoped3A : memref<!tpu.dma_semaphore, #tpu.memory_space<semaphore_mem>>)
        %dma_wait3A = arith.constant 9600 : i32
        %dma_wait3A_12 = arith.constant 0 : i32
        %dma_wait3A_13 = tpu.memref_slice %arg10[%dma_wait3A, %dma_wait3A_12] : memref<10240x16xf32, #tpu.memory_space<vmem_shared>> -> memref<640x16xf32, #tpu.memory_space<vmem_shared>>
        tpu.wait_dma2 semaphore(%run_scoped3A : memref<!tpu.dma_semaphore, #tpu.memory_space<semaphore_mem>>) src(%arg5 : memref<640x16xf32, #tpu.memory_space<hbm>>) dst(%dma_wait3A_13 : memref<640x16xf32, #tpu.memory_space<vmem_shared>>)
        tpu.yield
      }) : () -> ()
      "tpu.region"() ({
        %run_scoped3A = tpu.sem_alloc : memref<!tpu.dma_semaphore, #tpu.memory_space<semaphore_mem>>
        %dma_start3A = arith.constant 9600 : i32
        %dma_start3A_10 = arith.constant 0 : i32
        %dma_start3A_11 = tpu.memref_slice %arg11[%dma_start3A, %dma_start3A_10] : memref<10240x16xf32, #tpu.memory_space<vmem_shared>> -> memref<640x16xf32, #tpu.memory_space<vmem_shared>>
        %dma_start3A_12 = arith.constant 9600 : i32
        %dma_start3A_13 = arith.constant 0 : i32
        %dma_start3A_14 = tpu.memref_slice %arg2[%dma_start3A_12, %dma_start3A_13] : memref<10240x16xf32, #tpu.memory_space<hbm>> -> memref<640x16xf32, #tpu.memory_space<hbm>>
        tpu.enqueue_dma source(%dma_start3A_14 : memref<640x16xf32, #tpu.memory_space<hbm>>) target(%dma_start3A_11 : memref<640x16xf32, #tpu.memory_space<vmem_shared>>) target_semaphore(%run_scoped3A : memref<!tpu.dma_semaphore, #tpu.memory_space<semaphore_mem>>)
        %dma_wait3A = arith.constant 9600 : i32
        %dma_wait3A_15 = arith.constant 0 : i32
        %dma_wait3A_16 = tpu.memref_slice %arg11[%dma_wait3A, %dma_wait3A_15] : memref<10240x16xf32, #tpu.memory_space<vmem_shared>> -> memref<640x16xf32, #tpu.memory_space<vmem_shared>>
        %dma_wait3A_17 = arith.constant 9600 : i32
        %dma_wait3A_18 = arith.constant 0 : i32
        %dma_wait3A_19 = tpu.memref_slice %arg2[%dma_wait3A_17, %dma_wait3A_18] : memref<10240x16xf32, #tpu.memory_space<hbm>> -> memref<640x16xf32, #tpu.memory_space<hbm>>
        tpu.wait_dma2 semaphore(%run_scoped3A : memref<!tpu.dma_semaphore, #tpu.memory_space<semaphore_mem>>) src(%dma_wait3A_19 : memref<640x16xf32, #tpu.memory_space<hbm>>) dst(%dma_wait3A_16 : memref<640x16xf32, #tpu.memory_space<vmem_shared>>)
        tpu.yield
      }) : () -> ()
      %scan3A = arith.constant 0 : i32
      %scan3A_5 = arith.constant 0 : i32
      %scan3A_6 = arith.constant 2560 : i32
      %scan3A_7 = arith.addi %scan3A_5, %scan3A_6 : i32
      %scan3A_8 = arith.constant 1 : i32
      scf.for %scan3A_10 = %scan3A_5 to %scan3A_7 step %scan3A_8  : i32 {
        %mul3A_11 = arith.constant 128 : i32
        %mul3A_12 = arith.muli %scan3A_10, %mul3A_11 : i32
        "tpu.region"() ({
          %run_scoped3A = tpu.sem_alloc : memref<!tpu.dma_semaphore, #tpu.memory_space<semaphore_mem>>
          %dma_start3A_17 = tpu.memref_slice %arg3[%mul3A_12] : memref<327680xi32, #tpu.memory_space<hbm>> -> memref<128xi32, #tpu.memory_space<hbm>>
          %dma_start3A_18 = tpu.memref_slice %arg3[%mul3A_12] : memref<327680xi32, #tpu.memory_space<hbm>> -> memref<128xi32, #tpu.memory_space<hbm>>
          tpu.enqueue_dma source(%dma_start3A_18 : memref<128xi32, #tpu.memory_space<hbm>>) target(%arg7 : memref<128xi32, #tpu.memory_space<vmem>>) target_semaphore(%run_scoped3A : memref<!tpu.dma_semaphore, #tpu.memory_space<semaphore_mem>>)
          %dma_wait3A_19 = tpu.memref_slice %arg3[%mul3A_12] : memref<327680xi32, #tpu.memory_space<hbm>> -> memref<128xi32, #tpu.memory_space<hbm>>
          %dma_wait3A_20 = tpu.memref_slice %arg3[%mul3A_12] : memref<327680xi32, #tpu.memory_space<hbm>> -> memref<128xi32, #tpu.memory_space<hbm>>
          tpu.wait_dma2 semaphore(%run_scoped3A : memref<!tpu.dma_semaphore, #tpu.memory_space<semaphore_mem>>) src(%dma_wait3A_20 : memref<128xi32, #tpu.memory_space<hbm>>) dst(%arg7 : memref<128xi32, #tpu.memory_space<vmem>>)
          tpu.yield
        }) : () -> ()
        "tpu.region"() ({
          %run_scoped3A = tpu.sem_alloc : memref<!tpu.dma_semaphore, #tpu.memory_space<semaphore_mem>>
          %dma_start3A_17 = tpu.memref_slice %arg4[%mul3A_12] : memref<327680xi32, #tpu.memory_space<hbm>> -> memref<128xi32, #tpu.memory_space<hbm>>
          %dma_start3A_18 = tpu.memref_slice %arg4[%mul3A_12] : memref<327680xi32, #tpu.memory_space<hbm>> -> memref<128xi32, #tpu.memory_space<hbm>>
          tpu.enqueue_dma source(%dma_start3A_18 : memref<128xi32, #tpu.memory_space<hbm>>) target(%arg8 : memref<128xi32, #tpu.memory_space<vmem>>) target_semaphore(%run_scoped3A : memref<!tpu.dma_semaphore, #tpu.memory_space<semaphore_mem>>)
          %dma_wait3A_19 = tpu.memref_slice %arg4[%mul3A_12] : memref<327680xi32, #tpu.memory_space<hbm>> -> memref<128xi32, #tpu.memory_space<hbm>>
          %dma_wait3A_20 = tpu.memref_slice %arg4[%mul3A_12] : memref<327680xi32, #tpu.memory_space<hbm>> -> memref<128xi32, #tpu.memory_space<hbm>>
          tpu.wait_dma2 semaphore(%run_scoped3A : memref<!tpu.dma_semaphore, #tpu.memory_space<semaphore_mem>>) src(%dma_wait3A_20 : memref<128xi32, #tpu.memory_space<hbm>>) dst(%arg8 : memref<128xi32, #tpu.memory_space<vmem>>)
          tpu.yield
        }) : () -> ()
        %dma_start3A = arith.constant 0 : i32
        %dma_start3A_13 = arith.constant 0 : i32
        %dma_start3A_14 = tpu.memref_slice %arg11[%dma_start3A, %dma_start3A_13] : memref<10240x16xf32, #tpu.memory_space<vmem_shared>> -> memref<10240x16xf32, #tpu.memory_space<vmem_shared>>
        tpu.enqueue_indirect_dma source(%dma_start3A_14 : memref<10240x16xf32, #tpu.memory_space<vmem_shared>>) target(%arg9 : memref<128x16xf32, #tpu.memory_space<vmem>>) offsets(%arg7 : memref<128xi32, #tpu.memory_space<vmem>>) semaphore(%arg12 : memref<!tpu.dma_semaphore, #tpu.memory_space<semaphore_mem>>)
        %dma_wait3A = arith.constant 0 : i32
        %dma_wait3A_15 = arith.constant 0 : i32
        %dma_wait3A_16 = tpu.memref_slice %arg11[%dma_wait3A, %dma_wait3A_15] : memref<10240x16xf32, #tpu.memory_space<vmem_shared>> -> memref<10240x16xf32, #tpu.memory_space<vmem_shared>>
        tpu.wait_indirect_dma semaphore(%arg12 : memref<!tpu.dma_semaphore, #tpu.memory_space<semaphore_mem>>) src(%dma_wait3A_16 : memref<10240x16xf32, #tpu.memory_space<vmem_shared>>) dst(%arg9 : memref<128x16xf32, #tpu.memory_space<vmem>>)
        "tpu.region"() ({
          %run_scoped3A = tpu.sem_alloc : memref<!tpu.dma_semaphore, #tpu.memory_space<semaphore_mem>>
          %dma_start3A_17 = arith.constant 0 : i32
          %dma_start3A_18 = arith.constant 0 : i32
          %dma_start3A_19 = tpu.memref_slice %arg10[%dma_start3A_17, %dma_start3A_18] : memref<10240x16xf32, #tpu.memory_space<vmem_shared>> -> memref<10240x16xf32, #tpu.memory_space<vmem_shared>>
          tpu.enqueue_indirect_dma source(%arg9 : memref<128x16xf32, #tpu.memory_space<vmem>>) target(%dma_start3A_19 : memref<10240x16xf32, #tpu.memory_space<vmem_shared>>) offsets(%arg8 : memref<128xi32, #tpu.memory_space<vmem>>) semaphore(%run_scoped3A : memref<!tpu.dma_semaphore, #tpu.memory_space<semaphore_mem>>) {add = true}
          %dma_wait3A_20 = arith.constant 0 : i32
          %dma_wait3A_21 = arith.constant 0 : i32
          %dma_wait3A_22 = tpu.memref_slice %arg10[%dma_wait3A_20, %dma_wait3A_21] : memref<10240x16xf32, #tpu.memory_space<vmem_shared>> -> memref<10240x16xf32, #tpu.memory_space<vmem_shared>>
          tpu.wait_indirect_dma semaphore(%run_scoped3A : memref<!tpu.dma_semaphore, #tpu.memory_space<semaphore_mem>>) src(%arg9 : memref<128x16xf32, #tpu.memory_space<vmem>>) dst(%dma_wait3A_22 : memref<10240x16xf32, #tpu.memory_space<vmem_shared>>)
          tpu.yield
        }) : () -> ()
      }
      %scan3A_9 = arith.constant 2560 : i32
    } else {
    }
    %barrier3A = arith.constant 0 : index
    tpu.barrier barrier_id(%barrier3A)
    "tpu.region"() ({
      %run_scoped3A = tpu.sem_alloc : memref<!tpu.dma_semaphore, #tpu.memory_space<semaphore_mem>>
      %dma_start3A = arith.constant 0 : i32
      %dma_start3A_5 = tpu.memref_slice %arg6[%arg0, %mul3A_0, %dma_start3A] : memref<2x10240x16xf32, #tpu.memory_space<hbm>> -> memref<1x640x16xf32, #tpu.memory_space<hbm>>
      %dma_start3A_6 = tpu.memref_squeeze %dma_start3A_5 : memref<1x640x16xf32, #tpu.memory_space<hbm>> -> memref<640x16xf32, #tpu.memory_space<hbm>>
      %dma_start3A_7 = arith.constant 0 : i32
      %dma_start3A_8 = tpu.memref_slice %arg10[%mul3A_0, %dma_start3A_7] : memref<10240x16xf32, #tpu.memory_space<vmem_shared>> -> memref<640x16xf32, #tpu.memory_space<vmem_shared>>
      tpu.enqueue_dma source(%dma_start3A_8 : memref<640x16xf32, #tpu.memory_space<vmem_shared>>) target(%dma_start3A_6 : memref<640x16xf32, #tpu.memory_space<hbm>>) target_semaphore(%run_scoped3A : memref<!tpu.dma_semaphore, #tpu.memory_space<semaphore_mem>>)
      %dma_wait3A = arith.constant 0 : i32
      %dma_wait3A_9 = tpu.memref_slice %arg6[%arg0, %mul3A_0, %dma_wait3A] : memref<2x10240x16xf32, #tpu.memory_space<hbm>> -> memref<1x640x16xf32, #tpu.memory_space<hbm>>
      %dma_wait3A_10 = tpu.memref_squeeze %dma_wait3A_9 : memref<1x640x16xf32, #tpu.memory_space<hbm>> -> memref<640x16xf32, #tpu.memory_space<hbm>>
      %dma_wait3A_11 = arith.constant 0 : i32
      %dma_wait3A_12 = tpu.memref_slice %arg10[%mul3A_0, %dma_wait3A_11] : memref<10240x16xf32, #tpu.memory_space<vmem_shared>> -> memref<640x16xf32, #tpu.memory_space<vmem_shared>>
      tpu.wait_dma2 semaphore(%run_scoped3A : memref<!tpu.dma_semaphore, #tpu.memory_space<semaphore_mem>>) src(%dma_wait3A_12 : memref<640x16xf32, #tpu.memory_space<vmem_shared>>) dst(%dma_wait3A_10 : memref<640x16xf32, #tpu.memory_space<hbm>>)
      tpu.yield
    }) : () -> ()
    return
  }
}

module attributes {stable_mosaic.version = 14 : i64} {
  func.func @_dense_body(%arg0: memref<2x10240x128xf32, #tpu.memory_space<vmem>>, %arg1: memref<2x10240x16xf32, #tpu.memory_space<vmem>>, %arg2: memref<128x128xf32, #tpu.memory_space<vmem>>, %arg3: memref<1x128xf32, #tpu.memory_space<vmem>>, %arg4: memref<128x16xf32, #tpu.memory_space<vmem>>, %arg5: memref<10240x16xf32, #tpu.memory_space<vmem>>) attributes {dimension_semantics = [], scalar_prefetch = 0 : i64, scratch_operands = 0 : i64, tpu.core_type = #tpu.core_type<tc>} {
    %get3A = arith.constant 0 : index
    %get3A_0 = arith.constant 0 : index
    %get3A_1 = arith.constant 0 : index
    %get3A_2 = vector.load %arg0[%get3A, %get3A_0, %get3A_1] : memref<2x10240x128xf32, #tpu.memory_space<vmem>>, vector<1x10240x128xf32>
    %get3A_3 = vector.shape_cast %get3A_2 : vector<1x10240x128xf32> to vector<10240x128xf32>
    %get3A_4 = arith.constant 1 : index
    %get3A_5 = arith.constant 0 : index
    %get3A_6 = arith.constant 0 : index
    %get3A_7 = vector.load %arg0[%get3A_4, %get3A_5, %get3A_6] : memref<2x10240x128xf32, #tpu.memory_space<vmem>>, vector<1x10240x128xf32>
    %get3A_8 = vector.shape_cast %get3A_7 : vector<1x10240x128xf32> to vector<10240x128xf32>
    %add3A = arith.addf %get3A_3, %get3A_8 : vector<10240x128xf32>
    %get3A_9 = arith.constant 0 : index
    %get3A_10 = arith.constant 0 : index
    %get3A_11 = arith.constant 0 : index
    %get3A_12 = vector.load %arg1[%get3A_9, %get3A_10, %get3A_11] : memref<2x10240x16xf32, #tpu.memory_space<vmem>>, vector<1x10240x16xf32>
    %get3A_13 = vector.shape_cast %get3A_12 : vector<1x10240x16xf32> to vector<10240x16xf32>
    %slice3A = vector.extract_strided_slice %get3A_13 {offsets = [0, 0], sizes = [10240, 1], strides = [1, 1]} : vector<10240x16xf32> to vector<10240x1xf32>
    %get3A_14 = arith.constant 1 : index
    %get3A_15 = arith.constant 0 : index
    %get3A_16 = arith.constant 0 : index
    %get3A_17 = vector.load %arg1[%get3A_14, %get3A_15, %get3A_16] : memref<2x10240x16xf32, #tpu.memory_space<vmem>>, vector<1x10240x16xf32>
    %get3A_18 = vector.shape_cast %get3A_17 : vector<1x10240x16xf32> to vector<10240x16xf32>
    %slice3A_19 = vector.extract_strided_slice %get3A_18 {offsets = [0, 0], sizes = [10240, 1], strides = [1, 1]} : vector<10240x16xf32> to vector<10240x1xf32>
    %add3A_20 = arith.addf %slice3A, %slice3A_19 : vector<10240x1xf32>
    %max3A = arith.constant 1.000000e+00 : f32
    %max3A_21 = vector.broadcast %max3A : f32 to vector<10240x1xf32>
    %max3A_22 = arith.maximumf %add3A_20, %max3A_21 : vector<10240x1xf32>
    %div3A = arith.constant 1.000000e+00 : f32
    %div3A_23 = vector.broadcast %div3A : f32 to vector<10240x1xf32>
    %div3A_24 = arith.divf %div3A_23, %max3A_22 : vector<10240x1xf32>
    %mul3A = vector.broadcast %div3A_24 : vector<10240x1xf32> to vector<10240x128xf32>
    %mul3A_25 = arith.mulf %add3A, %mul3A : vector<10240x128xf32>
    %get3A_26 = arith.constant 0 : index
    %get3A_27 = arith.constant 0 : index
    %get3A_28 = vector.load %arg2[%get3A_26, %get3A_27] : memref<128x128xf32, #tpu.memory_space<vmem>>, vector<128x128xf32>
    %dot_general3A = arith.constant dense<0.000000e+00> : vector<10240x128xf32>
    %dot_general3A_29 = tpu.matmul %mul3A_25, %get3A_28, %dot_general3A {dimension_numbers = #tpu.dot_dimension_numbers<[1], [0], [0], [1], [0, 0, 1, 1], [], []>, transpose_lhs_hint = false} : vector<10240x128xf32>, vector<128x128xf32>, vector<10240x128xf32> -> vector<10240x128xf32>
    %get3A_30 = arith.constant 0 : index
    %get3A_31 = arith.constant 0 : index
    %get3A_32 = vector.load %arg3[%get3A_30, %get3A_31] : memref<1x128xf32, #tpu.memory_space<vmem>>, vector<1x128xf32>
    %add3A_33 = vector.broadcast %get3A_32 : vector<1x128xf32> to vector<10240x128xf32>
    %add3A_34 = arith.addf %dot_general3A_29, %add3A_33 : vector<10240x128xf32>
    %max3A_35 = arith.constant 0.000000e+00 : f32
    %max3A_36 = vector.broadcast %max3A_35 : f32 to vector<10240x128xf32>
    %max3A_37 = arith.maximumf %add3A_34, %max3A_36 : vector<10240x128xf32>
    %get3A_38 = arith.constant 0 : index
    %get3A_39 = arith.constant 0 : index
    %get3A_40 = vector.load %arg4[%get3A_38, %get3A_39] : memref<128x16xf32, #tpu.memory_space<vmem>>, vector<128x16xf32>
    %dot_general3A_41 = arith.constant dense<0.000000e+00> : vector<10240x16xf32>
    %dot_general3A_42 = tpu.matmul %max3A_37, %get3A_40, %dot_general3A_41 {dimension_numbers = #tpu.dot_dimension_numbers<[1], [0], [0], [1], [0, 0, 1, 1], [], []>, transpose_lhs_hint = false} : vector<10240x128xf32>, vector<128x16xf32>, vector<10240x16xf32> -> vector<10240x16xf32>
    %swap3A = arith.constant 0 : index
    %swap3A_43 = arith.constant 0 : index
    %swap3A_44 = vector.load %arg5[%swap3A, %swap3A_43] : memref<10240x16xf32, #tpu.memory_space<vmem>>, vector<10240x16xf32>
    tpu.vector_store %arg5[%swap3A, %swap3A_43], %dot_general3A_42 {strides = array<i32>} : memref<10240x16xf32, #tpu.memory_space<vmem>>, vector<10240x16xf32>,
    return
  }
}

module attributes {stable_mosaic.version = 14 : i64} {
  func.func @_final_body(%arg0: memref<2x10240x16xf32, #tpu.memory_space<vmem>>, %arg1: memref<2x10240x16xf32, #tpu.memory_space<vmem>>, %arg2: memref<1x16xf32, #tpu.memory_space<vmem>>, %arg3: memref<10240x16xf32, #tpu.memory_space<vmem>>) attributes {dimension_semantics = [], scalar_prefetch = 0 : i64, scratch_operands = 0 : i64, tpu.core_type = #tpu.core_type<tc>} {
    %get3A = arith.constant 0 : index
    %get3A_0 = arith.constant 0 : index
    %get3A_1 = arith.constant 0 : index
    %get3A_2 = vector.load %arg0[%get3A, %get3A_0, %get3A_1] : memref<2x10240x16xf32, #tpu.memory_space<vmem>>, vector<1x10240x16xf32>
    %get3A_3 = vector.shape_cast %get3A_2 : vector<1x10240x16xf32> to vector<10240x16xf32>
    %get3A_4 = arith.constant 1 : index
    %get3A_5 = arith.constant 0 : index
    %get3A_6 = arith.constant 0 : index
    %get3A_7 = vector.load %arg0[%get3A_4, %get3A_5, %get3A_6] : memref<2x10240x16xf32, #tpu.memory_space<vmem>>, vector<1x10240x16xf32>
    %get3A_8 = vector.shape_cast %get3A_7 : vector<1x10240x16xf32> to vector<10240x16xf32>
    %add3A = arith.addf %get3A_3, %get3A_8 : vector<10240x16xf32>
    %get3A_9 = arith.constant 0 : index
    %get3A_10 = arith.constant 0 : index
    %get3A_11 = arith.constant 0 : index
    %get3A_12 = vector.load %arg1[%get3A_9, %get3A_10, %get3A_11] : memref<2x10240x16xf32, #tpu.memory_space<vmem>>, vector<1x10240x16xf32>
    %get3A_13 = vector.shape_cast %get3A_12 : vector<1x10240x16xf32> to vector<10240x16xf32>
    %slice3A = vector.extract_strided_slice %get3A_13 {offsets = [0, 0], sizes = [10240, 1], strides = [1, 1]} : vector<10240x16xf32> to vector<10240x1xf32>
    %get3A_14 = arith.constant 1 : index
    %get3A_15 = arith.constant 0 : index
    %get3A_16 = arith.constant 0 : index
    %get3A_17 = vector.load %arg1[%get3A_14, %get3A_15, %get3A_16] : memref<2x10240x16xf32, #tpu.memory_space<vmem>>, vector<1x10240x16xf32>
    %get3A_18 = vector.shape_cast %get3A_17 : vector<1x10240x16xf32> to vector<10240x16xf32>
    %slice3A_19 = vector.extract_strided_slice %get3A_18 {offsets = [0, 0], sizes = [10240, 1], strides = [1, 1]} : vector<10240x16xf32> to vector<10240x1xf32>
    %add3A_20 = arith.addf %slice3A, %slice3A_19 : vector<10240x1xf32>
    %max3A = arith.constant 1.000000e+00 : f32
    %max3A_21 = vector.broadcast %max3A : f32 to vector<10240x1xf32>
    %max3A_22 = arith.maximumf %add3A_20, %max3A_21 : vector<10240x1xf32>
    %div3A = arith.constant 1.000000e+00 : f32
    %div3A_23 = vector.broadcast %div3A : f32 to vector<10240x1xf32>
    %div3A_24 = arith.divf %div3A_23, %max3A_22 : vector<10240x1xf32>
    %mul3A = vector.broadcast %div3A_24 : vector<10240x1xf32> to vector<10240x16xf32>
    %mul3A_25 = arith.mulf %add3A, %mul3A : vector<10240x16xf32>
    %get3A_26 = arith.constant 0 : index
    %get3A_27 = arith.constant 0 : index
    %get3A_28 = vector.load %arg2[%get3A_26, %get3A_27] : memref<1x16xf32, #tpu.memory_space<vmem>>, vector<1x16xf32>
    %add3A_29 = vector.broadcast %get3A_28 : vector<1x16xf32> to vector<10240x16xf32>
    %add3A_30 = arith.addf %mul3A_25, %add3A_29 : vector<10240x16xf32>
    %swap3A = arith.constant 0 : index
    %swap3A_31 = arith.constant 0 : index
    %swap3A_32 = vector.load %arg3[%swap3A, %swap3A_31] : memref<10240x16xf32, #tpu.memory_space<vmem>>, vector<10240x16xf32>
    tpu.vector_store %arg3[%swap3A, %swap3A_31], %add3A_30 {strides = array<i32>} : memref<10240x16xf32, #tpu.memory_space<vmem>>, vector<10240x16xf32>,
    return
  }
}

</mosaic_0001>

<sc_bundles>
// kernel: kernel.6.cloned.1.call-start
scs
__scs_entry_jumppad:
0x0: {  	(pc) =	sbr.rel $0x88, $3  }
0x1: {  	(tag) =	ssettag $0x0;
	lr =	simm.s32 $0x1  }
0x2: {  	[smem:$0x3F9B] =	sst lr;
	_ =	strace $0xD0000000  }
0x3: {  	_ = 	snop  }
0x4: {  	_ = 	snop  }
0x5: {  	_ = 	snop  }
0x6: {  	_ = 	snop  }
0x7: {  	_ = 	snop  }
__scs_overlays_trampoline_lowered:
0x8: {  	[smem:$0x3FAA] =	sst s0  }
0x9: {  	[smem:$0x3FAB] =	sst s1  }
0xa: {  	[smem:$0x3FAC] =	sst s2  }
0xb: {  	[smem:$0x3FAD] =	sst s3  }
0xc: {  	[smem:$0x3FAE] =	sst s4  }
0xd: {  	[smem:$0x3FAF] =	sst s5  }
0xe: {  	[smem:$0x3FB0] =	sst s6  }
0xf: {  	[smem:$0x3FB1] =	sst s7  }
0x10: {  	[smem:$0x3FB2] =	sst s8  }
0x11: {  	[smem:$0x3FB3] =	sst s9;
	s0 =	simm.s32 @!p0 $0x0  }
0x12: {  	s1 =	sld [smem:$0x3F99];
	s0 =	simm.s32 @p0 $0x1  }
0x13: {  	[smem:$0x3FB4] =	sst s0;
	s0 =	simm.s32 @!p1 $0x0  }
0x14: {  	s2 =	sld [smem:$0x3F98];
	s0 =	simm.s32 @p1 $0x1  }
0x15: {  	[smem:$0x3FB5] =	sst s0;
	s0 =	simm.s32 @!p2 $0x0  }
0x16: {  	s3 =	sld [smem:$0x3FDB];
	s0 =	simm.s32 @p2 $0x1  }
0x17: {  	s4 =	simm.s32 $0x1BF5;
	[smem:$0x3FB7] =	sst s0  }
0x18: {  	s0 =	sld [smem:$0x3F9A];
	_ =	swait.ge [sflag:s4], $0x0  }
0x19: {  	s7 =	sld [smem:$0x3F9B]  }
0x1a: {  	s8 =	sadd.s32 $0xFFFFE003, lr  }
0x1b: {  	s9 =	sadd.s32 $0xFFFFFEF7, lr;
	s5 =	simm.s32 $0xFFFFFFFF;
	p2 =	slt.u32 s8, $0xFFFFF086  }
0x1c: {  	p1 =	slt.u32 s9, $0xF7A;
	s5 =	simm.s32 @!p2 $0x0  }
0x1d: {  	s5 =	simm.s32 @p1 $0x1;
	p0 =	seq.s32 s7, s2  }
0x1e: {  	s7 =	smul.u32 @!p0 $0xF7A, s2;
	p2 =	seq.s32 @!p0 s5, $0x0  }
0x1f: {  	s9 =	smul.u32 $0xF7A, s1;
	s8 =	simm.s32 @!p0 $0x1BF5;
	p2 =	por !p2, p0  }
0x20: {  	[sflag:s8] =	ssyncset.s32 @!p0 $0xFFFFF086;
	s6 =	sadd.s32 @!p0 s3, s7;
	s7 =	simm.s32 @!p0 $0x108  }
0x21: {  	s3 =	sadd.s32 s3, s9;
	s6 =	sadd.s32 @!p0 $0x88, s6;
	s7 =	simm.s32 @p2 $0x1082  }
0x22: {  	[simem:s7], [sflag:s8] =	dma.local @!p0 [hbm:s6], $0xF7A  }
0x23: {  	s9 =	sor.u32 $0xD0000000, s2;
	s6 =	simm.s32 $0x108;
	_ =	swait.ge @!p0 [sflag:s8], $0x0  }
0x24: {  	s3 =	sadd.s32 $0x88, s3;
	s6 =	simm.s32 @!p1 $0x1082;
	[sflag:s4] =	ssyncset.s32 $0xFFFFF086  }
0x25: {  	[simem:s6], [sflag:s4] =	dma.local [hbm:s3], $0xF7A  }
0x26: {  	[smem:$0x3F9B] =	sst s1;
	(tag) =	ssettag s2;
	_ =	strace s9  }
0x27: {  	s1 =	sld [smem:$0x3FAB]  }
0x28: {  	s2 =	sld [smem:$0x3FAC]  }
0x29: {  	s4 =	sld [smem:$0x3FAE]  }
0x2a: {  	p0 =	seq.s32 s5, $0x0;
	s5 =	sld [smem:$0x3FAF]  }
0x2b: {  	s6 =	sld [smem:$0x3FB0]  }
0x2c: {  	s7 =	sld [smem:$0x3FB1]  }
0x2d: {  	s3 =	simm.s32 $0x108;
	s8 =	sld [smem:$0x3FB2]  }
0x2e: {  	s3 =	simm.s32 @!p0 $0x1082;
	s9 =	sld [smem:$0x3FB3]  }
0x2f: {  	lr =	sadd.s32 s0, s3;
	s0 =	sld [smem:$0x3FAA]  }
0x30: {  	s3 =	sld [smem:$0x3FAD]  }
0x31: {  	[smem:$0x3FB6] =	sst s10  }
0x32: {  	s10 =	sld [smem:$0x3FB4];
	_ =	sdelay $0x3  }
0x33: {  	p0 =	seq.s32 s10, $0x1;
	s10 =	sld [smem:$0x3FB6];
	_ =	sdelay $0x3  }
0x34: {  	[smem:$0x3FB6] =	sst s10  }
0x35: {  	s10 =	sld [smem:$0x3FB5];
	_ =	sdelay $0x3  }
0x36: {  	p1 =	seq.s32 s10, $0x1;
	s10 =	sld [smem:$0x3FB6];
	_ =	sdelay $0x3  }
0x37: {  	[smem:$0x3FB6] =	sst s10  }
0x38: {  	s10 =	sld [smem:$0x3FB7]  }
0x39: {  	_ = 	snop;
	(pc) =	sbr.ind lr, $3  }
0x3a: {  	_ = 	snop  }
0x3b: {  	_ = 	snop  }
0x3c: {  	p2 =	seq.s32 s10, $0x1;
	s10 =	sld [smem:$0x3FB6]  }
0x3d: {  	_ =	shalt  }
0x3e: {  	_ =	shalt  }
0x3f: {  	_ =	shalt  }
0x40: {  	_ =	shalt  }
0x41: {  	_ =	shalt  }
0x42: {  	_ =	shalt  }
0x43: {  	_ =	shalt  }
0x44: {  	_ =	shalt  }
0x45: {  	_ =	shalt  }
0x46: {  	_ =	shalt  }
0x47: {  	_ =	shalt  }
0x48: {  	_ =	shalt  }
0x49: {  	_ =	shalt  }
0x4a: {  	_ =	shalt  }
0x4b: {  	_ =	shalt  }
0x4c: {  	_ =	shalt  }
0x4d: {  	_ =	shalt  }
0x4e: {  	_ =	shalt  }
0x4f: {  	_ =	shalt  }
0x50: {  	_ =	shalt  }
0x51: {  	_ =	shalt  }
0x52: {  	_ =	shalt  }
0x53: {  	_ =	shalt  }
0x54: {  	_ =	shalt  }
0x55: {  	_ =	shalt  }
0x56: {  	_ =	shalt  }
0x57: {  	_ =	shalt  }
0x58: {  	_ =	shalt  }
0x59: {  	_ =	shalt  }
0x5a: {  	_ =	shalt  }
0x5b: {  	_ =	shalt  }
0x5c: {  	_ =	shalt  }
0x5d: {  	_ =	shalt  }
0x5e: {  	_ =	shalt  }
0x5f: {  	_ =	shalt  }
0x60: {  	_ =	shalt  }
0x61: {  	_ =	shalt  }
0x62: {  	_ =	shalt  }
0x63: {  	_ =	shalt  }
0x64: {  	_ =	shalt  }
0x65: {  	_ =	shalt  }
0x66: {  	_ =	shalt  }
0x67: {  	_ =	shalt  }
0x68: {  	_ =	shalt  }
0x69: {  	_ =	shalt  }
0x6a: {  	_ =	shalt  }
0x6b: {  	_ =	shalt  }
0x6c: {  	_ =	shalt  }
0x6d: {  	_ =	shalt  }
0x6e: {  	_ =	shalt  }
0x6f: {  	_ =	shalt  }
0x70: {  	_ =	shalt  }
0x71: {  	_ =	shalt  }
0x72: {  	_ =	shalt  }
0x73: {  	_ =	shalt  }
0x74: {  	_ =	shalt  }
0x75: {  	_ =	shalt  }
0x76: {  	_ =	shalt  }
0x77: {  	_ =	shalt  }
0x78: {  	_ =	shalt  }
0x79: {  	_ =	shalt  }
0x7a: {  	_ =	shalt  }
0x7b: {  	_ =	shalt  }
0x7c: {  	_ =	shalt  }
0x7d: {  	_ =	shalt  }
0x7e: {  	_ =	shalt  }
0x7f: {  	_ =	shalt  }
0x80: {  	_ =	shalt  }
0x81: {  	_ =	shalt  }
0x82: {  	_ =	shalt  }
0x83: {  	_ =	shalt  }
0x84: {  	_ =	shalt  }
0x85: {  	_ =	shalt  }
0x86: {  	_ =	shalt  }
0x87: {  	_ =	shalt  }
.Lfunc_end0:
.L_simem_size_0:
called_computation.1_lowered:
.L_overlay_start_0:
0x88: {  	s2 =	sld [smem:$0x3FD9]  }
0x89: {  	s3 =	sld [smem:$0x3FFE];
	_ =	sdelay $0x1  }
0x8a: {  	s1 =	srdreg.scid  }
0x8b: {  	s0 =	sand.u32 $0x1, s1  }
0x8c: {  	s17 =	sshll.u32 s0, $0xA;
	s2 =	sadd.s32 s3, s2  }
0x8d: {  	s2 =	sadd.s32 s2, s17  }
0x8e: {  	[smem:$0x3FC2] =	sst s2  }
0x8f: {  	_ = 	snop  }
0x90: {  	s4 =	sld [smem:$0x3FC9]  }
0x91: {  	s18 =	sld [smem:$0x3FD0];
	(tm) =	ssettm $0x1  }
0x92: {  	s19 =	sld [smem:$0x3FFB];
	_ =	sdelay $0x3  }
0x93: {  	_ =	strace s19  }
0x94: {  	s2 =	sld [smem:$0x3FFC];
	_ =	sdelay $0x3  }
0x95: {  	_ =	strace s2  }
0x96: {  	s2 =	sld [smem:$0x3FFD];
	_ =	sdelay $0x3  }
0x97: {  	_ =	strace s2  }
0x98: {  	_ =	strace $0x8FFFFFFF  }
0x99: {  	s20 =	sld [smem:$0x3FDB];
	_ =	sdelay $0x1  }
0x9a: {  	s5 =	simm.s32 $_scs_section_size  }
0x9b: {  	s6 =	simm.s32 $_size__tile_overlayer_lowered;
	s7 =	simm.s32 $_tile_overlayer_lowered  }
0x9c: {  	s8 =	simm.s32 $0x1BFF;
	s21 =	sshll.u32 s7, $0x1;
	s5 =	sadd.s32 s5, s20  }
0x9d: {  	s22 =	simm.s32 $0x0;
	s6 =	sshll.u32 s6, $0x1;
	s7 =	sadd.s32 s21, s5  }
0x9e: {  	[timem:s22], [sflag:s8] =	dma.local [hbm:s7], s6  }
0x9f: {  	_ =	swait.ge [sflag:s8], s6  }
0xa0: {  	s6 =	ssub.s32 $0x0, s6;
	[sflag:s8] =	ssyncset.done $0x0  }
0xa1: {  	[sflag:s8] =	ssyncadd.s32 s6;
	_ =	sdelay $0x1  }
0xa2: {  	s23 =	simm.s32 $0x1B8B  }
0xa3: {  	_ =	swait.ge [sflag:s23], $0x1  }
0xa4: {  	[sflag:s23] =	ssyncset.done $0x0  }
0xa5: {  	[sflag:s23] =	ssyncadd.s32 $0xFFFFFFFF  }
0xa6: {  	s6 =	sld [smem:$0x0]  }
0xa7: {  	s7 =	sand.u32 $0xFFFFFFFE, s1  }
0xa8: {  	p0 =	sne.s32 s1, s7  }
0xa9: {  	s7 =	sshll.u32 @p0 s7, $0xE  }
0xaa: {  	s7 =	sadd.s32 @p0 $0x11B8D, s7;
	s8 =	sshll.u32 @p0 s6, $0x11  }
0xab: {  	s7 =	sor.u32 @p0 s8, s7  }
0xac: {  	[sflag:s7] =	ssyncadd.remote.s32 @p0 $0x1;
	_ =	sdelay $0x1  }
0xad: {  	s7 =	simm.s32 @p0 $0x1B8D  }
0xae: {  	_ =	swait.eq @p0 [sflag:s7], $0x1  }
0xaf: {  	[sflag:s7] =	ssyncadd.s32 @p0 $0xFFFFFFFF  }
0xb0: {  	s8 =	sshll.u32 @!p0 s1, $0xE  }
0xb1: {  	s8 =	sor.u32 @!p0 $0x4000, s8;
	s7 =	simm.s32 @!p0 $0x1B8D  }
0xb2: {  	s6 =	sshll.u32 @!p0 s6, $0x11;
	s8 =	sadd.s32 @!p0 $0x11B8D, s8;
	_ =	swait.eq @!p0 [sflag:s7], $0x1  }
0xb3: {  	s6 =	sor.u32 @!p0 s6, s8;
	[sflag:s7] =	ssyncadd.s32 @!p0 $0xFFFFFFFF  }
0xb4: {  	s25 =	simm.s32 $0x1B8E;
	s24 =	sld [smem:$0x3FFE];
	[sflag:s6] =	ssyncadd.remote.s32 @!p0 $0x1  }
0xb5: {  	s26 =	simm.s32 $execute0_lowered;
	[smem:$0x3FD2] =	sst s25  }
0xb6: {  	s7 =	sshll.u32 s26, $0x1;
	_ =	strace $0x80000049;
	[dreg:$0x1] =	wrdreg $0xFFFFFFFF  }
0xb7: {  	s28 =	simm.s32 $_size_execute0_lowered;
	s5 =	sadd.s32 s5, s7;
	[dreg:$0x0] =	wrdreg $0x0  }
0xb8: {  	s7 =	sshll.u32 s28, $0x1;
	[dreg:$0x2] =	wrdreg s5  }
0xb9: {  	[dreg:$0x3] =	wrdreg s7  }
0xba: {  	[dreg:$0x4] =	wrdreg $0xC0  }
0xbb: {  	_ =	task [dreg:s22], $0x5FFFF  }
0xbc: {  	[dreg:$0x1] =	wrdreg $0xFFFFFFFF  }
0xbd: {  	[dreg:$0x0] =	wrdreg $0x60  }
0xbe: {  	[dreg:$0x2] =	wrdreg s4  }
0xbf: {  	[dreg:$0x3] =	wrdreg s24  }
0xc0: {  	[dreg:$0x4] =	wrdreg s18  }
0xc1: {  	[dreg:$0x5] =	wrdreg $0x41000  }
0xc2: {  	[dreg:$0x6] =	wrdreg $0xA  }
0xc3: {  	_ =	task.clear_ibuf [dreg:s22], $0x7FFFF;
	_ =	strace $0x90000049  }
0xc4: {  	s29 =	simm.s32 $0xA;
	_ =	strace $0x8000004B  }
0xc5: {  	_ =	swait.ge [sflag:s29], $0x1  }
0xc6: {  	[sflag:s29] =	ssyncadd.s32 $0xFFFFFFFF  }
0xc7: {  	_ =	strace $0x9000004B  }
0xc8: {  	_ =	sfence  }
0xc9: {  	s30 =	sld [smem:$0x0];
	_ =	sdelay $0x2  }
0xca: {  	s31 =	sshll.u32 s1, $0xD;
	s1 =	sshrl.u32 s1, $0x2  }
0xcb: {  	s4 =	sand.u32 $0x4000, s31;
	s1 =	sadd.s32 s1, s30  }
0xcc: {  	s0 =	sor.u32 s4, s0;
	s1 =	sshll.u32 s1, $0x11  }
0xcd: {  	s0 =	sor.u32 s1, s0  }
0xce: {  	s0 =	sadd.s32 $0x8F2B, s0  }
0xcf: {  	[sflag:s0] =	ssyncadd.remote.s32 $0x1  }
0xd0: {  	_ =	sfence.sel $0xFFFF  }
0xd1: {  	[dreg:$0x0] =	wrdreg $0xFFFFFFFF;
	(pc) =	sbr.abs _section_cstart, $3  }
0xd2: {  	[dreg:$0x1] =	wrdreg $0xFFFFFFFF  }
0xd3: {  	_ =	task.clear_ibuf [dreg:s22], $0x2FFFF;
	_ =	strace $0x9FFFFFFF  }
0xd4: {  	(tm) =	ssettm $0x7FFFFFFF  }
0xd5: {  	_ =	shalt  }
tec
execute0_lowered:
.L_overlay_start_1:
0x0: {  	(tag) =	ssettag $0x1  }
0x1: {  	s1 =	rddreg [dreg:$0x0]  }
0x2: {  	s0 =	rddreg [dreg:$0x1]  }
0x3: {  	s2 =	rddreg [dreg:$0x2]  }
0x4: {  	s3 =	rddreg [dreg:$0x3];
	s4 =	srdreg.scid  }
0x5: {  	s5 =	simm.s32 $0x0;
	s24 =	stileid.u32;
	s28 =	simm.s32 $0x2  }
0x6: {  	s29 =	simm.s32 $0x80;
	s30 =	simm.s32 $0x100;
	s31 =	simm.s32 $0x1  }
0x7: {  	s4 =	sand.u32 $0x1, s4;
	[smem:$0x7FF] =	sst s5;
	s8 =	smul.u32 $0x14000, s24  }
0x8: {  	s6 =	sadd.s32 $0x1E600, s0;
	s11 =	sadd.s32 $0x14000, s3;
	s12 =	sadd.s32 $0x28000, s3  }
0x9: {  	s13 =	sadd.s32 $0x3C000, s3;
	s14 =	sadd.s32 $0x50000, s3;
	s15 =	sadd.s32 $0x64000, s3  }
0xa: {  	s16 =	sadd.s32 $0x78000, s3;
	s17 =	sadd.s32 $0x8C000, s3;
	s18 =	sadd.s32 $0xA0000, s3  }
0xb: {  	s19 =	sadd.s32 $0xB4000, s3;
	s20 =	sadd.s32 $0xC8000, s3;
	s25 =	smul.u32 $0x50000, s24  }
0xc: {  	s21 =	sadd.s32 $0xDC000, s3;
	s22 =	sadd.s32 $0xF0000, s3;
	s23 =	sadd.s32 $0x104000, s3  }
0xd: {  	s26 =	sshll.u32 s24, $0x6;
	s7 =	smul.u32 $0x140000, s4;
	_ =	strace $0x8000004A  }
0xe: {  	s9 =	ssub.s32 $0x2, s4;
	s4 =	sshll.u32 s4, $0x4;
	s11 =	sshrl.u32 s11, $0x3  }
0xf: {  	s12 =	sshrl.u32 s12, $0x3;
	s15 =	sshrl.u32 s15, $0x3;
	s16 =	sshrl.u32 s16, $0x3  }
0x10: {  	s17 =	sshrl.u32 s17, $0x3;
	s18 =	sshrl.u32 s18, $0x3;
	s19 =	sshrl.u32 s19, $0x3  }
0x11: {  	s20 =	sshrl.u32 s20, $0x3;
	s21 =	sshrl.u32 s21, $0x3;
	s22 =	sshrl.u32 s22, $0x3  }
0x12: {  	s23 =	sshrl.u32 s23, $0x3;
	s10 =	sshrl.u32 s9, $0x1;
	[dreg:$0x5] =	wrdreg s11  }
0x13: {  	[dreg:$0x6] =	wrdreg s12;
	s8 =	sadd.s32 s8, s7;
	s7 =	sadd.s32 $0x600, s0  }
0x14: {  	s9 =	ssub.s32 s9, s10;
	s10 =	ssub.s32 $0x0, s24;
	s24 =	sshrl.u32 s13, $0x3  }
0x15: {  	s8 =	sshrl.u32 s8, $0x3;
	p0 =	sne.s32 s4, s10;
	s4 =	sadd.s32 $0x118000, s3  }
.Ltmp0:
0x16: {  	s10 =	sshrl.u32 s25, $0x2;
	s9 =	smax.u32 s9, $0x1;
	(pc) =	sbr.rel .LBB2_1-.Ltmp0, $4  }
0x17: {  	[dreg:$0x7] =	wrdreg s24;
	s25 =	sshrl.u32 s14, $0x3;
	s0 =	sadd.s32 s8, s0  }
0x18: {  	[dreg:$0x8] =	wrdreg s25;
	s24 =	sshrl.u32 s4, $0x3;
	s8 =	sadd.s32 $0x28C00, s0  }
0x19: {  	s0 =	sadd.s32 s10, s3;
	s10 =	sor.u32 $0x1C02, s26;
	s26 =	sadd.s32 $0x12C000, s3  }
0x1a: {  	s25 =	sshrl.u32 s26, $0x3;
	s26 =	sshrl.u32 s0, $0x3;
	s0 =	simm.s32 $0x0  }
.LBB2_4:
0x1b: {  	s11 =	sadd.s32 s4, s6;
	[sflag:s28] =	ssyncadd.s32 $0xFFFFC000  }
0x1c: {  	[tilespmem:s5], [sflag:$0x2] =	stream.linear.gather [hbm4b:s11+s5], $0x80, $0x38;
	[tilespmem:$0x18100] =	vst v63  }
0x1d: {  	_ =	swait.ge [sflag:s28], $0x80  }
0x1e: {  	[sflag:s28] =	ssyncset.done $0x0  }
0x1f: {  	s14 =	sadd.s32 s4, s7;
	[sflag:s28] =	ssyncadd.s32 $0xFFFFFF80  }
0x20: {  	[tilespmem:s29], [sflag:$0x2] =	stream.linear.gather [hbm4b:s14+s5], $0x80, $0x38;
	[tilespmem:$0x18100] =	vst v63  }
0x21: {  	_ =	swait.ge [sflag:s28], $0x80  }
0x22: {  	[sflag:s28] =	ssyncset.done $0x0  }
0x23: {  	[sflag:s28] =	ssyncadd.s32 $0xFFFFFF80  }
0x24: {  	[tilespmem:s30], [sflag:$0x1] =	stream.indirect.gather [hbm4b:s1+s29], $0x80, s5, s29, $0xb8;
	[tilespmem:$0x18100] =	vst v63  }
0x25: {  	_ =	swait.ge [sflag:s31], $0x4000  }
0x26: {  	[sflag:s31] =	ssyncset.done $0x0  }
0x27: {  	[sflag:s31] =	ssyncadd.s32 $0xFFFFC000  }
0x28: {  	[spmem:s3] =	stream.indirect.scatter.add.f32 [tilespmem:s30], [sflag:$0x2], $0x80, s29, s29, $0xb8;
	[tilespmem:$0x18100] =	vst v63  }
0x29: {  	_ =	swait.ge [sflag:s28], $0x4000  }
0x2a: {  	[sflag:s28] =	ssyncset.done $0x0  }
0x2b: {  	[sflag:s28] =	ssyncadd.s32 $0xFFFFC000  }
.LBB2_5:
0x2c: {  	s0 =	sadd.s32 $0x1, s0  }
0x2d: {  	p1 =	sne.s32 s0, s9  }
.Ltmp1:
0x2e: {  	[bflag:$0x0] =	sbarrier.arrive $0xFFFF;
	(pc) =	sbr.rel @!p1 .LBB2_6-.Ltmp1, $4  }
0x2f: {  	[hbm:s8], [sflag:s10] =	dma.local [spmem:s26], $0x2800  }
0x30: {  	_ =	swait.ge [sflag:s28], $0x2800  }
0x31: {  	[sflag:s28] =	ssyncset.done $0x0  }
0x32: {  	[sflag:s28] =	ssyncadd.s32 $0xFFFFD800  }
.LBB2_1:
.Ltmp2:
0x33: {  	(pc) =	sbr.rel @p0 .LBB2_5-.Ltmp2, $1  }
0x34: {  	_ =	sdelay $0x3  }
0x35: {  	s4 =	sshrl.u32 s3, $0x3  }
0x36: {  	[spmem:s4], [sflag:s10] =	dma.local [hbm:s2], $0x2800  }
0x37: {  	_ =	swait.ge [sflag:s28], $0x2800  }
0x38: {  	[sflag:s28] =	ssyncset.done $0x0  }
0x39: {  	s13 =	rddreg [dreg:$0x5];
	[sflag:s28] =	ssyncadd.s32 $0xFFFFD800  }
0x3a: {  	[spmem:s13], [sflag:s10] =	dma.local [hbm:s2], $0x2800  }
0x3b: {  	_ =	swait.ge [sflag:s28], $0x2800  }
0x3c: {  	[sflag:s28] =	ssyncset.done $0x0  }
0x3d: {  	s14 =	rddreg [dreg:$0x6];
	[sflag:s28] =	ssyncadd.s32 $0xFFFFD800  }
0x3e: {  	[spmem:s14], [sflag:s10] =	dma.local [hbm:s2], $0x2800  }
0x3f: {  	_ =	swait.ge [sflag:s28], $0x2800  }
0x40: {  	[sflag:s28] =	ssyncset.done $0x0  }
0x41: {  	s11 =	rddreg [dreg:$0x7];
	[sflag:s28] =	ssyncadd.s32 $0xFFFFD800  }
0x42: {  	[spmem:s11], [sflag:s10] =	dma.local [hbm:s2], $0x2800  }
0x43: {  	_ =	swait.ge [sflag:s28], $0x2800  }
0x44: {  	[sflag:s28] =	ssyncset.done $0x0  }
0x45: {  	s12 =	rddreg [dreg:$0x8];
	[sflag:s28] =	ssyncadd.s32 $0xFFFFD800  }
0x46: {  	[spmem:s12], [sflag:s10] =	dma.local [hbm:s2], $0x2800  }
0x47: {  	_ =	swait.ge [sflag:s28], $0x2800  }
0x48: {  	[sflag:s28] =	ssyncset.done $0x0  }
0x49: {  	[sflag:s28] =	ssyncadd.s32 $0xFFFFD800  }
0x4a: {  	[spmem:s15], [sflag:s10] =	dma.local [hbm:s2], $0x2800  }
0x4b: {  	_ =	swait.ge [sflag:s28], $0x2800  }
0x4c: {  	[sflag:s28] =	ssyncset.done $0x0  }
0x4d: {  	[sflag:s28] =	ssyncadd.s32 $0xFFFFD800  }
0x4e: {  	[spmem:s16], [sflag:s10] =	dma.local [hbm:s2], $0x2800  }
0x4f: {  	_ =	swait.ge [sflag:s28], $0x2800  }
0x50: {  	[sflag:s28] =	ssyncset.done $0x0  }
0x51: {  	[sflag:s28] =	ssyncadd.s32 $0xFFFFD800  }
0x52: {  	[spmem:s17], [sflag:s10] =	dma.local [hbm:s2], $0x2800  }
0x53: {  	_ =	swait.ge [sflag:s28], $0x2800  }
0x54: {  	[sflag:s28] =	ssyncset.done $0x0  }
0x55: {  	[sflag:s28] =	ssyncadd.s32 $0xFFFFD800  }
0x56: {  	[spmem:s18], [sflag:s10] =	dma.local [hbm:s2], $0x2800  }
0x57: {  	_ =	swait.ge [sflag:s28], $0x2800  }
0x58: {  	[sflag:s28] =	ssyncset.done $0x0  }
0x59: {  	[sflag:s28] =	ssyncadd.s32 $0xFFFFD800  }
0x5a: {  	[spmem:s19], [sflag:s10] =	dma.local [hbm:s2], $0x2800  }
0x5b: {  	_ =	swait.ge [sflag:s28], $0x2800  }
0x5c: {  	[sflag:s28] =	ssyncset.done $0x0  }
0x5d: {  	[sflag:s28] =	ssyncadd.s32 $0xFFFFD800  }
0x5e: {  	[spmem:s20], [sflag:s10] =	dma.local [hbm:s2], $0x2800  }
0x5f: {  	_ =	swait.ge [sflag:s28], $0x2800  }
0x60: {  	[sflag:s28] =	ssyncset.done $0x0  }
0x61: {  	[sflag:s28] =	ssyncadd.s32 $0xFFFFD800  }
0x62: {  	[spmem:s21], [sflag:s10] =	dma.local [hbm:s2], $0x2800  }
0x63: {  	_ =	swait.ge [sflag:s28], $0x2800  }
0x64: {  	[sflag:s28] =	ssyncset.done $0x0  }
0x65: {  	[sflag:s28] =	ssyncadd.s32 $0xFFFFD800  }
0x66: {  	[spmem:s22], [sflag:s10] =	dma.local [hbm:s2], $0x2800  }
0x67: {  	_ =	swait.ge [sflag:s28], $0x2800  }
0x68: {  	[sflag:s28] =	ssyncset.done $0x0  }
0x69: {  	[sflag:s28] =	ssyncadd.s32 $0xFFFFD800  }
0x6a: {  	[spmem:s23], [sflag:s10] =	dma.local [hbm:s2], $0x2800  }
0x6b: {  	_ =	swait.ge [sflag:s28], $0x2800  }
0x6c: {  	[sflag:s28] =	ssyncset.done $0x0  }
0x6d: {  	[sflag:s28] =	ssyncadd.s32 $0xFFFFD800  }
0x6e: {  	[spmem:s24], [sflag:s10] =	dma.local [hbm:s2], $0x2800  }
0x6f: {  	_ =	swait.ge [sflag:s28], $0x2800  }
0x70: {  	[sflag:s28] =	ssyncset.done $0x0  }
0x71: {  	[sflag:s28] =	ssyncadd.s32 $0xFFFFD800  }
0x72: {  	[spmem:s25], [sflag:s10] =	dma.local [hbm:s2], $0x2800  }
0x73: {  	_ =	swait.ge [sflag:s28], $0x2800  }
0x74: {  	[sflag:s28] =	ssyncset.done $0x0  }
0x75: {  	s13 =	sadd.s32 $0x0, s6;
	[sflag:s28] =	ssyncadd.s32 $0xFFFFD800  }
0x76: {  	[tilespmem:s5], [sflag:$0x2] =	stream.linear.gather [hbm4b:s13+s5], $0x80, $0x38;
	[tilespmem:$0x18100] =	vst v63  }
0x77: {  	_ =	swait.ge [sflag:s28], $0x80  }
0x78: {  	[sflag:s28] =	ssyncset.done $0x0  }
0x79: {  	s14 =	sadd.s32 $0x0, s7;
	[sflag:s28] =	ssyncadd.s32 $0xFFFFFF80  }
0x7a: {  	[tilespmem:s29], [sflag:$0x2] =	stream.linear.gather [hbm4b:s14+s5], $0x80, $0x38;
	[tilespmem:$0x18100] =	vst v63  }
0x7b: {  	_ =	swait.ge [sflag:s28], $0x80  }
0x7c: {  	[sflag:s28] =	ssyncset.done $0x0  }
0x7d: {  	[sflag:s28] =	ssyncadd.s32 $0xFFFFFF80  }
0x7e: {  	[tilespmem:s30], [sflag:$0x1] =	stream.indirect.gather [hbm4b:s1+s29], $0x80, s5, s29, $0xb8;
	[tilespmem:$0x18100] =	vst v63  }
0x7f: {  	_ =	swait.ge [sflag:s31], $0x4000  }
0x80: {  	[sflag:s31] =	ssyncset.done $0x0  }
0x81: {  	[sflag:s31] =	ssyncadd.s32 $0xFFFFC000  }
0x82: {  	[spmem:s3] =	stream.indirect.scatter.add.f32 [tilespmem:s30], [sflag:$0x2], $0x80, s29, s29, $0xb8;
	[tilespmem:$0x18100] =	vst v63  }
0x83: {  	_ =	swait.ge [sflag:s28], $0x4000  }
0x84: {  	s4 =	simm.s32 $0x10;
	s11 =	simm.s32 $0x20;
	[sflag:s28] =	ssyncset.done $0x0  }
.LBB2_3:
0x85: {  	s12 =	sadd.s32 s4, s6  }
0x86: {  	[sflag:s28] =	ssyncadd.s32 $0xFFFFC000;
	s13 =	smov.u32 s11;
	s14 =	sadd.s32 $0x10, s11  }
0x87: {  	[tilespmem:s5], [sflag:$0x2] =	stream.linear.gather [hbm4b:s12+s5], $0x80, $0x38;
	[tilespmem:$0x18100] =	vst v63  }
0x88: {  	p1 =	sne.s32 s11, $0x9FF0;
	_ =	swait.ge [sflag:s28], $0x80  }
0x89: {  	[sflag:s28] =	ssyncset.done $0x0  }
0x8a: {  	s11 =	sadd.s32 s4, s7;
	s4 =	smov.u32 s13;
	[sflag:s28] =	ssyncadd.s32 $0xFFFFFF80  }
0x8b: {  	[tilespmem:s29], [sflag:$0x2] =	stream.linear.gather [hbm4b:s11+s5], $0x80, $0x38;
	[tilespmem:$0x18100] =	vst v63  }
0x8c: {  	_ =	swait.ge [sflag:s28], $0x80  }
0x8d: {  	[sflag:s28] =	ssyncset.done $0x0  }
0x8e: {  	[sflag:s28] =	ssyncadd.s32 $0xFFFFFF80  }
0x8f: {  	[tilespmem:s30], [sflag:$0x1] =	stream.indirect.gather [hbm4b:s1+s29], $0x80, s5, s29, $0xb8;
	[tilespmem:$0x18100] =	vst v63  }
0x90: {  	_ =	swait.ge [sflag:s31], $0x4000  }
.Ltmp3:
0x91: {  	[sflag:s31] =	ssyncset.done $0x0;
	(pc) =	sbr.rel @p1 .LBB2_3-.Ltmp3, $4  }
0x92: {  	[sflag:s31] =	ssyncadd.s32 $0xFFFFC000  }
0x93: {  	[spmem:s3] =	stream.indirect.scatter.add.f32 [tilespmem:s30], [sflag:$0x2], $0x80, s29, s29, $0xb8;
	[tilespmem:$0x18100] =	vst v63  }
0x94: {  	_ =	swait.ge [sflag:s28], $0x4000  }
0x95: {  	s11 =	smov.u32 s14;
	[sflag:s28] =	ssyncset.done $0x0  }
.Ltmp4:
0x96: {  	_ = 	snop;
	(pc) =	sbr.rel .LBB2_4-.Ltmp4, $1  }
0x97: {  	_ =	sdelay $0x3  }
.LBB2_6:
0x98: {  	_ =	sfence.sel $0x180000  }
0x99: {  	[bflag:$0x0] =	sbarrier.arrive $0xFFFF  }
0x9a: {  	_ =	strace $0x9000004A  }
0x9b: {  	s0 =	stileid.u32;
	[bflag:$0x2] =	sbarrier.arrive $0xFFFF  }
0x9c: {  	p0 =	sne.s32 s0, $0x0;
	s0 =	rddreg [dreg:$0x4]  }
0x9d: {  	s0 =	sadd.s32 @!p0 $0x100000, s0  }
0x9e: {  	[sflag:s0] =	ssyncadd.tile.s32 @!p0 $0x1;
	_ =	shalt  }
.Lfunc_end2:
_tile_overlayer_lowered:
.L_overlay_start_2:
0x9f: {  	(tag) =	ssettag $0x2  }
0xa0: {  	s0 =	rddreg [dreg:$0x0];
	s2 =	stileid.u32  }
0xa1: {  	s1 =	rddreg [dreg:$0x1];
	p0 =	sne.s32 s2, $0x0  }
0xa2: {  	s3 =	rddreg [dreg:$0x2];
	[bflag:$0x3] =	sbarrier.arrive $0xFFFF;
	s2 =	simm.s32 @!p0 $0x1C02  }
0xa3: {  	[timem:s3], [sflag:s2] =	dma.local @!p0 [hbm:s0], s1  }
0xa4: {  	s0 =	simm.s32 @!p0 $0x2  }
0xa5: {  	_ =	swait.ge @!p0 [sflag:s0], s1  }
0xa6: {  	s1 =	ssub.s32 @!p0 $0x0, s1;
	[sflag:s0] =	ssyncset.done @!p0 $0x0  }
0xa7: {  	[sflag:s0] =	ssyncadd.s32 @!p0 s1  }
0xa8: {  	[bflag:$0x3] =	sbarrier.arrive $0xFFFF  }
0xa9: {  	_ =	shalt  }

// kernel: kernel.9.cloned.1.call-start
scs
__scs_entry_jumppad:
0x0: {  	(pc) =	sbr.rel $0x88, $3  }
0x1: {  	(tag) =	ssettag $0x0;
	lr =	simm.s32 $0x1  }
0x2: {  	[smem:$0x3F9B] =	sst lr;
	_ =	strace $0xD0000000  }
0x3: {  	_ = 	snop  }
0x4: {  	_ = 	snop  }
0x5: {  	_ = 	snop  }
0x6: {  	_ = 	snop  }
0x7: {  	_ = 	snop  }
__scs_overlays_trampoline_lowered:
0x8: {  	[smem:$0x3FAA] =	sst s0  }
0x9: {  	[smem:$0x3FAB] =	sst s1  }
0xa: {  	[smem:$0x3FAC] =	sst s2  }
0xb: {  	[smem:$0x3FAD] =	sst s3  }
0xc: {  	[smem:$0x3FAE] =	sst s4  }
0xd: {  	[smem:$0x3FAF] =	sst s5  }
0xe: {  	[smem:$0x3FB0] =	sst s6  }
0xf: {  	[smem:$0x3FB1] =	sst s7  }
0x10: {  	[smem:$0x3FB2] =	sst s8  }
0x11: {  	[smem:$0x3FB3] =	sst s9;
	s0 =	simm.s32 @!p0 $0x0  }
0x12: {  	s1 =	sld [smem:$0x3F99];
	s0 =	simm.s32 @p0 $0x1  }
0x13: {  	[smem:$0x3FB4] =	sst s0;
	s0 =	simm.s32 @!p1 $0x0  }
0x14: {  	s2 =	sld [smem:$0x3F98];
	s0 =	simm.s32 @p1 $0x1  }
0x15: {  	[smem:$0x3FB5] =	sst s0;
	s0 =	simm.s32 @!p2 $0x0  }
0x16: {  	s3 =	sld [smem:$0x3FDB];
	s0 =	simm.s32 @p2 $0x1  }
0x17: {  	s4 =	simm.s32 $0x1BF5;
	[smem:$0x3FB7] =	sst s0  }
0x18: {  	s0 =	sld [smem:$0x3F9A];
	_ =	swait.ge [sflag:s4], $0x0  }
0x19: {  	s7 =	sld [smem:$0x3F9B]  }
0x1a: {  	s8 =	sadd.s32 $0xFFFFE003, lr  }
0x1b: {  	s9 =	sadd.s32 $0xFFFFFEF7, lr;
	s5 =	simm.s32 $0xFFFFFFFF;
	p2 =	slt.u32 s8, $0xFFFFF086  }
0x1c: {  	p1 =	slt.u32 s9, $0xF7A;
	s5 =	simm.s32 @!p2 $0x0  }
0x1d: {  	s5 =	simm.s32 @p1 $0x1;
	p0 =	seq.s32 s7, s2  }
0x1e: {  	s7 =	smul.u32 @!p0 $0xF7A, s2;
	p2 =	seq.s32 @!p0 s5, $0x0  }
0x1f: {  	s9 =	smul.u32 $0xF7A, s1;
	s8 =	simm.s32 @!p0 $0x1BF5;
	p2 =	por !p2, p0  }
0x20: {  	[sflag:s8] =	ssyncset.s32 @!p0 $0xFFFFF086;
	s6 =	sadd.s32 @!p0 s3, s7;
	s7 =	simm.s32 @!p0 $0x108  }
0x21: {  	s3 =	sadd.s32 s3, s9;
	s6 =	sadd.s32 @!p0 $0x88, s6;
	s7 =	simm.s32 @p2 $0x1082  }
0x22: {  	[simem:s7], [sflag:s8] =	dma.local @!p0 [hbm:s6], $0xF7A  }
0x23: {  	s9 =	sor.u32 $0xD0000000, s2;
	s6 =	simm.s32 $0x108;
	_ =	swait.ge @!p0 [sflag:s8], $0x0  }
0x24: {  	s3 =	sadd.s32 $0x88, s3;
	s6 =	simm.s32 @!p1 $0x1082;
	[sflag:s4] =	ssyncset.s32 $0xFFFFF086  }
0x25: {  	[simem:s6], [sflag:s4] =	dma.local [hbm:s3], $0xF7A  }
0x26: {  	[smem:$0x3F9B] =	sst s1;
	(tag) =	ssettag s2;
	_ =	strace s9  }
0x27: {  	s1 =	sld [smem:$0x3FAB]  }
0x28: {  	s2 =	sld [smem:$0x3FAC]  }
0x29: {  	s4 =	sld [smem:$0x3FAE]  }
0x2a: {  	p0 =	seq.s32 s5, $0x0;
	s5 =	sld [smem:$0x3FAF]  }
0x2b: {  	s6 =	sld [smem:$0x3FB0]  }
0x2c: {  	s7 =	sld [smem:$0x3FB1]  }
0x2d: {  	s3 =	simm.s32 $0x108;
	s8 =	sld [smem:$0x3FB2]  }
0x2e: {  	s3 =	simm.s32 @!p0 $0x1082;
	s9 =	sld [smem:$0x3FB3]  }
0x2f: {  	lr =	sadd.s32 s0, s3;
	s0 =	sld [smem:$0x3FAA]  }
0x30: {  	s3 =	sld [smem:$0x3FAD]  }
0x31: {  	[smem:$0x3FB6] =	sst s10  }
0x32: {  	s10 =	sld [smem:$0x3FB4];
	_ =	sdelay $0x3  }
0x33: {  	p0 =	seq.s32 s10, $0x1;
	s10 =	sld [smem:$0x3FB6];
	_ =	sdelay $0x3  }
0x34: {  	[smem:$0x3FB6] =	sst s10  }
0x35: {  	s10 =	sld [smem:$0x3FB5];
	_ =	sdelay $0x3  }
0x36: {  	p1 =	seq.s32 s10, $0x1;
	s10 =	sld [smem:$0x3FB6];
	_ =	sdelay $0x3  }
0x37: {  	[smem:$0x3FB6] =	sst s10  }
0x38: {  	s10 =	sld [smem:$0x3FB7]  }
0x39: {  	_ = 	snop;
	(pc) =	sbr.ind lr, $3  }
0x3a: {  	_ = 	snop  }
0x3b: {  	_ = 	snop  }
0x3c: {  	p2 =	seq.s32 s10, $0x1;
	s10 =	sld [smem:$0x3FB6]  }
0x3d: {  	_ =	shalt  }
0x3e: {  	_ =	shalt  }
0x3f: {  	_ =	shalt  }
0x40: {  	_ =	shalt  }
0x41: {  	_ =	shalt  }
0x42: {  	_ =	shalt  }
0x43: {  	_ =	shalt  }
0x44: {  	_ =	shalt  }
0x45: {  	_ =	shalt  }
0x46: {  	_ =	shalt  }
0x47: {  	_ =	shalt  }
0x48: {  	_ =	shalt  }
0x49: {  	_ =	shalt  }
0x4a: {  	_ =	shalt  }
0x4b: {  	_ =	shalt  }
0x4c: {  	_ =	shalt  }
0x4d: {  	_ =	shalt  }
0x4e: {  	_ =	shalt  }
0x4f: {  	_ =	shalt  }
0x50: {  	_ =	shalt  }
0x51: {  	_ =	shalt  }
0x52: {  	_ =	shalt  }
0x53: {  	_ =	shalt  }
0x54: {  	_ =	shalt  }
0x55: {  	_ =	shalt  }
0x56: {  	_ =	shalt  }
0x57: {  	_ =	shalt  }
0x58: {  	_ =	shalt  }
0x59: {  	_ =	shalt  }
0x5a: {  	_ =	shalt  }
0x5b: {  	_ =	shalt  }
0x5c: {  	_ =	shalt  }
0x5d: {  	_ =	shalt  }
0x5e: {  	_ =	shalt  }
0x5f: {  	_ =	shalt  }
0x60: {  	_ =	shalt  }
0x61: {  	_ =	shalt  }
0x62: {  	_ =	shalt  }
0x63: {  	_ =	shalt  }
0x64: {  	_ =	shalt  }
0x65: {  	_ =	shalt  }
0x66: {  	_ =	shalt  }
0x67: {  	_ =	shalt  }
0x68: {  	_ =	shalt  }
0x69: {  	_ =	shalt  }
0x6a: {  	_ =	shalt  }
0x6b: {  	_ =	shalt  }
0x6c: {  	_ =	shalt  }
0x6d: {  	_ =	shalt  }
0x6e: {  	_ =	shalt  }
0x6f: {  	_ =	shalt  }
0x70: {  	_ =	shalt  }
0x71: {  	_ =	shalt  }
0x72: {  	_ =	shalt  }
0x73: {  	_ =	shalt  }
0x74: {  	_ =	shalt  }
0x75: {  	_ =	shalt  }
0x76: {  	_ =	shalt  }
0x77: {  	_ =	shalt  }
0x78: {  	_ =	shalt  }
0x79: {  	_ =	shalt  }
0x7a: {  	_ =	shalt  }
0x7b: {  	_ =	shalt  }
0x7c: {  	_ =	shalt  }
0x7d: {  	_ =	shalt  }
0x7e: {  	_ =	shalt  }
0x7f: {  	_ =	shalt  }
0x80: {  	_ =	shalt  }
0x81: {  	_ =	shalt  }
0x82: {  	_ =	shalt  }
0x83: {  	_ =	shalt  }
0x84: {  	_ =	shalt  }
0x85: {  	_ =	shalt  }
0x86: {  	_ =	shalt  }
0x87: {  	_ =	shalt  }
.Lfunc_end0:
.L_simem_size_0:
called_computation.2_lowered:
.L_overlay_start_0:
0x88: {  	s2 =	sld [smem:$0x3FD9]  }
0x89: {  	s3 =	sld [smem:$0x3FFE];
	_ =	sdelay $0x1  }
0x8a: {  	s1 =	srdreg.scid  }
0x8b: {  	s0 =	sand.u32 $0x1, s1  }
0x8c: {  	s17 =	sshll.u32 s0, $0xA;
	s2 =	sadd.s32 s3, s2  }
0x8d: {  	s2 =	sadd.s32 s2, s17  }
0x8e: {  	[smem:$0x3FC2] =	sst s2  }
0x8f: {  	_ = 	snop  }
0x90: {  	s2 =	sld [smem:$0x3FD0];
	(tm) =	ssettm $0x1  }
0x91: {  	s18 =	sld [smem:$0x3FFB];
	_ =	sdelay $0x3  }
0x92: {  	_ =	strace s18  }
0x93: {  	s3 =	sld [smem:$0x3FFC];
	_ =	sdelay $0x3  }
0x94: {  	_ =	strace s3  }
0x95: {  	s3 =	sld [smem:$0x3FFD];
	_ =	sdelay $0x3  }
0x96: {  	_ =	strace s3  }
0x97: {  	_ =	strace $0x8FFFFFFF  }
0x98: {  	s19 =	sld [smem:$0x3FDB];
	_ =	sdelay $0x1  }
0x99: {  	s4 =	simm.s32 $_scs_section_size  }
0x9a: {  	s5 =	simm.s32 $_size__tile_overlayer_lowered;
	s6 =	simm.s32 $_tile_overlayer_lowered  }
0x9b: {  	s22 =	simm.s32 $0x1BFF;
	s21 =	sshll.u32 s6, $0x1;
	s3 =	sadd.s32 s4, s19  }
0x9c: {  	s7 =	simm.s32 $0x0;
	s20 =	sshll.u32 s5, $0x1;
	s5 =	sadd.s32 s21, s3  }
0x9d: {  	[timem:s7], [sflag:s22] =	dma.local [hbm:s5], s20  }
0x9e: {  	_ =	swait.ge [sflag:s22], s20  }
0x9f: {  	s4 =	ssub.s32 $0x0, s20;
	[sflag:s22] =	ssyncset.done $0x0  }
0xa0: {  	[sflag:s22] =	ssyncadd.s32 s4;
	_ =	sdelay $0x1  }
0xa1: {  	s23 =	simm.s32 $0x1B8B  }
0xa2: {  	_ =	swait.ge [sflag:s23], $0x1  }
0xa3: {  	[sflag:s23] =	ssyncset.done $0x0  }
0xa4: {  	s25 =	simm.s32 $0x1B8E;
	s24 =	sld [smem:$0x3FFE];
	[sflag:s23] =	ssyncadd.s32 $0xFFFFFFFF  }
0xa5: {  	s26 =	simm.s32 $execute0_lowered;
	[smem:$0x3FD2] =	sst s25  }
0xa6: {  	s5 =	sshll.u32 s26, $0x1;
	_ =	strace $0x8000004C;
	[dreg:$0x1] =	wrdreg $0xFFFFFFFF  }
0xa7: {  	s28 =	simm.s32 $_size_execute0_lowered;
	s3 =	sadd.s32 s3, s5;
	[dreg:$0x0] =	wrdreg $0x0  }
0xa8: {  	s5 =	sshll.u32 s28, $0x1;
	[dreg:$0x2] =	wrdreg s3  }
0xa9: {  	[dreg:$0x3] =	wrdreg s5  }
0xaa: {  	[dreg:$0x4] =	wrdreg $0xC0  }
0xab: {  	_ =	task [dreg:s7], $0x5FFFF  }
0xac: {  	[dreg:$0x1] =	wrdreg $0xFFFFFFFF  }
0xad: {  	[dreg:$0x0] =	wrdreg $0x60  }
0xae: {  	[dreg:$0x2] =	wrdreg s24  }
0xaf: {  	[dreg:$0x3] =	wrdreg s2  }
0xb0: {  	[dreg:$0x4] =	wrdreg $0x41000  }
0xb1: {  	[dreg:$0x5] =	wrdreg $0x69000  }
0xb2: {  	[dreg:$0x6] =	wrdreg $0x9  }
0xb3: {  	_ =	task.clear_ibuf [dreg:s7], $0x7FFFF;
	_ =	strace $0x9000004C  }
0xb4: {  	s29 =	simm.s32 $0x9;
	_ =	strace $0x8000004E  }
0xb5: {  	_ =	swait.ge [sflag:s29], $0x1  }
0xb6: {  	[sflag:s29] =	ssyncadd.s32 $0xFFFFFFFF  }
0xb7: {  	_ =	strace $0x9000004E  }
0xb8: {  	_ =	sfence  }
0xb9: {  	s30 =	sld [smem:$0x0];
	_ =	sdelay $0x2  }
0xba: {  	s31 =	sshll.u32 s1, $0xD;
	s1 =	sshrl.u32 s1, $0x2  }
0xbb: {  	s3 =	sand.u32 $0x4000, s31;
	s1 =	sadd.s32 s1, s30  }
0xbc: {  	s0 =	sor.u32 s3, s0;
	s1 =	sshll.u32 s1, $0x11  }
0xbd: {  	s0 =	sor.u32 s1, s0  }
0xbe: {  	s0 =	sadd.s32 $0x8F2B, s0  }
0xbf: {  	[sflag:s0] =	ssyncadd.remote.s32 $0x1  }
0xc0: {  	_ =	sfence.sel $0xFFFF  }
0xc1: {  	[dreg:$0x0] =	wrdreg $0xFFFFFFFF;
	(pc) =	sbr.abs _section_cstart, $3  }
0xc2: {  	[dreg:$0x1] =	wrdreg $0xFFFFFFFF  }
0xc3: {  	_ =	task.clear_ibuf [dreg:s7], $0x2FFFF;
	_ =	strace $0x9FFFFFFF  }
0xc4: {  	(tm) =	ssettm $0x7FFFFFFF  }
0xc5: {  	_ =	shalt  }
tec
execute0_lowered:
.L_overlay_start_1:
0x0: {  	(tag) =	ssettag $0x1  }
0x1: {  	s1 =	rddreg [dreg:$0x0]  }
0x2: {  	s0 =	rddreg [dreg:$0x1]  }
0x3: {  	s3 =	rddreg [dreg:$0x2]  }
0x4: {  	s4 =	rddreg [dreg:$0x3];
	s5 =	simm.s32 $0x0  }
0x5: {  	[smem:$0x7FF] =	sst s5;
	s8 =	sadd.s32 $0x28600, s1  }
0x6: {  	s11 =	sadd.s32 $0x2AE00, s1;
	_ =	strace $0x8000004D;
	[dreg:$0x5] =	wrdreg s8  }
0x7: {  	s21 =	sadd.s32 $0x2D600, s1;
	[dreg:$0x6] =	wrdreg s11  }
0x8: {  	s22 =	sadd.s32 $0x2FE00, s1;
	[dreg:$0x7] =	wrdreg s21  }
0x9: {  	s2 =	srdreg.scid;
	s23 =	sadd.s32 $0x32600, s1;
	[dreg:$0x8] =	wrdreg s22  }
0xa: {  	s16 =	stileid.u32;
	s24 =	sadd.s32 $0x34E00, s1;
	[dreg:$0x9] =	wrdreg s23  }
0xb: {  	s2 =	sand.u32 $0x1, s2;
	s25 =	sadd.s32 $0x37600, s1;
	[dreg:$0xa] =	wrdreg s24  }
0xc: {  	s7 =	smul.u32 $0x14000, s16;
	s26 =	sadd.s32 $0x39E00, s1;
	[dreg:$0xb] =	wrdreg s25  }
0xd: {  	s20 =	ssub.s32 $0x0, s16;
	s12 =	sadd.s32 $0x3C600, s1;
	[dreg:$0xc] =	wrdreg s26  }
0xe: {  	s13 =	sadd.s32 $0x3EE00, s1;
	s14 =	sadd.s32 $0x41600, s1;
	[dreg:$0xd] =	wrdreg s12  }
0xf: {  	s15 =	sadd.s32 $0x43E00, s1;
	s17 =	smul.u32 $0x50000, s16;
	[dreg:$0xe] =	wrdreg s13  }
0x10: {  	s18 =	sadd.s32 $0x46600, s1;
	s19 =	sadd.s32 $0x48E00, s1;
	[dreg:$0xf] =	wrdreg s14  }
0x11: {  	s6 =	smul.u32 $0x140000, s2;
	s9 =	ssub.s32 $0x2, s2;
	[dreg:$0x10] =	wrdreg s15  }
0x12: {  	s8 =	sadd.s32 $0x600, s1;
	s2 =	sshll.u32 s2, $0x4;
	[dreg:$0x11] =	wrdreg s18  }
0x13: {  	[dreg:$0x12] =	wrdreg s19;
	s22 =	sadd.s32 $0x14000, s3;
	s23 =	sadd.s32 $0x14000, s4  }
0x14: {  	s26 =	sadd.s32 $0x28000, s3;
	s11 =	sadd.s32 $0x28000, s4;
	s12 =	sadd.s32 $0x3C000, s3  }
0x15: {  	s13 =	sadd.s32 $0x3C000, s4;
	s18 =	sadd.s32 $0x50000, s4;
	s19 =	sadd.s32 $0x64000, s3  }
0x16: {  	s10 =	sshrl.u32 s9, $0x1;
	p0 =	sne.s32 s2, s20;
	s20 =	sadd.s32 $0x4B600, s1  }
0x17: {  	s21 =	sshrl.u32 s17, $0x2;
	s14 =	sshrl.u32 s12, $0x3;
	s15 =	sshrl.u32 s13, $0x3  }
0x18: {  	s17 =	sadd.s32 $0x50000, s3;
	s12 =	sadd.s32 $0x8C000, s4;
	s13 =	sadd.s32 $0xA0000, s3  }
0x19: {  	s6 =	sadd.s32 s7, s6;
	s7 =	sadd.s32 $0x1E600, s1;
	[dreg:$0x13] =	wrdreg s20  }
0x1a: {  	s9 =	ssub.s32 s9, s10;
	s2 =	sadd.s32 s21, s3;
	[dreg:$0x19] =	wrdreg s14  }
0x1b: {  	s10 =	sshrl.u32 s26, $0x3;
	[dreg:$0x1a] =	wrdreg s15;
	s20 =	sshrl.u32 s18, $0x3  }
0x1c: {  	s21 =	sshrl.u32 s19, $0x3;
	s26 =	sadd.s32 $0x78000, s4;
	s14 =	sshrl.u32 s12, $0x3  }
0x1d: {  	s15 =	sshrl.u32 s13, $0x3;
	s18 =	sadd.s32 $0xB4000, s3;
	[dreg:$0x17] =	wrdreg s10  }
0x1e: {  	s19 =	sadd.s32 $0xB4000, s4;
	s12 =	sadd.s32 $0xF0000, s4;
	[dreg:$0x1c] =	wrdreg s20  }
0x1f: {  	s13 =	sadd.s32 $0x104000, s3;
	s6 =	sshrl.u32 s6, $0x3;
	[dreg:$0x1d] =	wrdreg s21  }
0x20: {  	s25 =	smax.u32 s9, $0x1;
	s10 =	sshrl.u32 s26, $0x3;
	[smem:$0x7F8] =	sst s14  }
0x21: {  	[smem:$0x7F9] =	sst s15;
	s20 =	sshrl.u32 s18, $0x3;
	s21 =	sshrl.u32 s19, $0x3  }
0x22: {  	s26 =	sadd.s32 $0xDC000, s3;
	s14 =	sadd.s32 $0x104000, s4;
	s15 =	sadd.s32 $0x118000, s3  }
0x23: {  	s28 =	sshrl.u32 s13, $0x3;
	s18 =	sadd.s32 $0x12C000, s3;
	s19 =	sadd.s32 $0x12C000, s4  }
0x24: {  	s9 =	sshrl.u32 s2, $0x3;
	s13 =	simm.s32 $0x1;
	[smem:$0x7F6] =	sst s10  }
0x25: {  	s6 =	sadd.s32 s6, s1;
	s1 =	sadd.s32 $0x4DE00, s1;
	[smem:$0x7FB] =	sst s20  }
0x26: {  	[smem:$0x7FC] =	sst s21;
	s21 =	sshrl.u32 s26, $0x3;
	s10 =	sadd.s32 $0xDC000, s4  }
0x27: {  	s26 =	sshrl.u32 s12, $0x3;
	s29 =	sshrl.u32 s14, $0x3;
	s30 =	sshrl.u32 s15, $0x3  }
0x28: {  	s12 =	simm.s32 $0x100;
	s14 =	simm.s32 $0x0;
	[dreg:$0x14] =	wrdreg s1  }
0x29: {  	s24 =	sadd.s32 $0xC8C00, s6;
	s1 =	sshrl.u32 s22, $0x3;
	s6 =	sshrl.u32 s23, $0x3  }
0x2a: {  	s22 =	sadd.s32 $0x64000, s4;
	s23 =	sadd.s32 $0x78000, s3;
	[dreg:$0x15] =	wrdreg s1  }
0x2b: {  	[dreg:$0x16] =	wrdreg s6;
	s1 =	sshrl.u32 s11, $0x3;
	s6 =	sshrl.u32 s23, $0x3  }
0x2c: {  	s11 =	sadd.s32 $0x8C000, s3;
	s23 =	sadd.s32 $0xC8000, s4;
	[dreg:$0x18] =	wrdreg s1  }
0x2d: {  	s1 =	sshrl.u32 s17, $0x3;
	[dreg:$0x1f] =	wrdreg s6;
	s17 =	sadd.s32 $0xA0000, s4  }
0x2e: {  	s20 =	sshrl.u32 s23, $0x3;
	[dreg:$0x1b] =	wrdreg s1;
	s1 =	sshrl.u32 s22, $0x3  }
0x2f: {  	s6 =	sshrl.u32 s19, $0x3;
	s22 =	sadd.s32 $0xC8000, s3;
	[dreg:$0x1e] =	wrdreg s1  }
.Ltmp0:
0x30: {  	s1 =	sshrl.u32 s11, $0x3;
	s11 =	sadd.s32 $0xF0000, s3;
	(pc) =	sbr.rel .LBB2_1-.Ltmp0, $4  }
0x31: {  	[smem:$0x7F7] =	sst s1;
	s1 =	sshrl.u32 s17, $0x3;
	s23 =	sshrl.u32 s11, $0x3  }
0x32: {  	s17 =	sadd.s32 $0x118000, s4;
	s11 =	simm.s32 $0x80;
	[smem:$0x7FA] =	sst s1  }
0x33: {  	s1 =	sshrl.u32 s22, $0x3;
	s22 =	sshrl.u32 s10, $0x3;
	s31 =	sshrl.u32 s17, $0x3  }
0x34: {  	s10 =	simm.s32 $0x2;
	[smem:$0x7FD] =	sst s1;
	s1 =	sshrl.u32 s18, $0x3  }
.LBB2_4:
0x35: {  	s2 =	sadd.s32 s16, s7;
	[sflag:s10] =	ssyncadd.s32 $0xFFFFF800  }
0x36: {  	[tilespmem:s5], [sflag:$0x2] =	stream.linear.gather [hbm4b:s2+s5], $0x80, $0x38;
	[tilespmem:$0x9100] =	vst v63  }
0x37: {  	_ =	swait.ge [sflag:s10], $0x80  }
0x38: {  	[sflag:s10] =	ssyncset.done $0x0  }
0x39: {  	s19 =	sadd.s32 s16, s8;
	[sflag:s10] =	ssyncadd.s32 $0xFFFFFF80  }
0x3a: {  	[tilespmem:s11], [sflag:$0x2] =	stream.linear.gather [hbm4b:s19+s5], $0x80, $0x38;
	[tilespmem:$0x9100] =	vst v63  }
0x3b: {  	_ =	swait.ge [sflag:s10], $0x80  }
0x3c: {  	[sflag:s10] =	ssyncset.done $0x0  }
0x3d: {  	[sflag:s10] =	ssyncadd.s32 $0xFFFFFF80  }
0x3e: {  	[tilespmem:s12], [sflag:$0x1] =	stream.indirect.gather [spmem:s4], $0x10, s5, s11, $0xb8;
	[tilespmem:$0x9100] =	vst v63  }
0x3f: {  	_ =	swait.ge [sflag:s13], $0x800  }
0x40: {  	[sflag:s13] =	ssyncset.done $0x0  }
0x41: {  	[sflag:s13] =	ssyncadd.s32 $0xFFFFF800  }
0x42: {  	[spmem:s3] =	stream.indirect.scatter.add.f32 [tilespmem:s12], [sflag:$0x2], $0x10, s11, s11, $0xb8;
	[tilespmem:$0x9100] =	vst v63  }
0x43: {  	_ =	swait.ge [sflag:s10], $0x800  }
0x44: {  	[sflag:s10] =	ssyncset.done $0x0  }
0x45: {  	s16 =	stileid.u32;
	[sflag:s10] =	ssyncadd.s32 $0xFFFFF800  }
.LBB2_5:
0x46: {  	s14 =	sadd.s32 $0x1, s14  }
0x47: {  	p1 =	sne.s32 s14, s25  }
.Ltmp1:
0x48: {  	[bflag:$0x0] =	sbarrier.arrive $0xFFFF;
	(pc) =	sbr.rel @!p1 .LBB2_6-.Ltmp1, $4  }
0x49: {  	[hbm:s24], [sflag:s15] =	dma.local [spmem:s9], $0x2800  }
0x4a: {  	_ =	swait.ge [sflag:s10], $0x2800  }
0x4b: {  	[sflag:s10] =	ssyncset.done $0x0  }
0x4c: {  	[sflag:s10] =	ssyncadd.s32 $0xFFFFD800  }
.LBB2_1:
.Ltmp2:
0x4d: {  	(pc) =	sbr.rel @p0 .LBB2_5-.Ltmp2, $3  }
0x4e: {  	_ =	sdelay $0x1  }
0x4f: {  	s2 =	sshll.u32 s16, $0x6  }
0x50: {  	s15 =	sor.u32 $0x1C02, s2  }
0x51: {  	s2 =	sshrl.u32 s3, $0x3  }
0x52: {  	[spmem:s2], [sflag:s15] =	dma.local [hbm:s0], $0x2800  }
0x53: {  	_ =	swait.ge [sflag:s10], $0x2800  }
0x54: {  	[sflag:s10] =	ssyncset.done $0x0  }
0x55: {  	s19 =	sshrl.u32 s4, $0x3;
	s16 =	rddreg [dreg:$0x5];
	[sflag:s10] =	ssyncadd.s32 $0xFFFFD800  }
0x56: {  	[spmem:s19], [sflag:s15] =	dma.local [hbm:s16], $0x2800  }
0x57: {  	_ =	swait.ge [sflag:s10], $0x2800  }
0x58: {  	[sflag:s10] =	ssyncset.done $0x0  }
0x59: {  	s17 =	rddreg [dreg:$0x15];
	[sflag:s10] =	ssyncadd.s32 $0xFFFFD800  }
0x5a: {  	[spmem:s17], [sflag:s15] =	dma.local [hbm:s0], $0x2800  }
0x5b: {  	_ =	swait.ge [sflag:s10], $0x2800  }
0x5c: {  	[sflag:s10] =	ssyncset.done $0x0;
	s18 =	rddreg [dreg:$0x6]  }
0x5d: {  	s19 =	rddreg [dreg:$0x16];
	[sflag:s10] =	ssyncadd.s32 $0xFFFFD800  }
0x5e: {  	[spmem:s19], [sflag:s15] =	dma.local [hbm:s18], $0x2800  }
0x5f: {  	_ =	swait.ge [sflag:s10], $0x2800  }
0x60: {  	[sflag:s10] =	ssyncset.done $0x0  }
0x61: {  	s17 =	rddreg [dreg:$0x17];
	[sflag:s10] =	ssyncadd.s32 $0xFFFFD800  }
0x62: {  	[spmem:s17], [sflag:s15] =	dma.local [hbm:s0], $0x2800  }
0x63: {  	_ =	swait.ge [sflag:s10], $0x2800  }
0x64: {  	[sflag:s10] =	ssyncset.done $0x0;
	s18 =	rddreg [dreg:$0x7]  }
0x65: {  	s19 =	rddreg [dreg:$0x18];
	[sflag:s10] =	ssyncadd.s32 $0xFFFFD800  }
0x66: {  	[spmem:s19], [sflag:s15] =	dma.local [hbm:s18], $0x2800  }
0x67: {  	_ =	swait.ge [sflag:s10], $0x2800  }
0x68: {  	[sflag:s10] =	ssyncset.done $0x0  }
0x69: {  	s17 =	rddreg [dreg:$0x19];
	[sflag:s10] =	ssyncadd.s32 $0xFFFFD800  }
0x6a: {  	[spmem:s17], [sflag:s15] =	dma.local [hbm:s0], $0x2800  }
0x6b: {  	_ =	swait.ge [sflag:s10], $0x2800  }
0x6c: {  	[sflag:s10] =	ssyncset.done $0x0;
	s18 =	rddreg [dreg:$0x8]  }
0x6d: {  	s19 =	rddreg [dreg:$0x1a];
	[sflag:s10] =	ssyncadd.s32 $0xFFFFD800  }
0x6e: {  	[spmem:s19], [sflag:s15] =	dma.local [hbm:s18], $0x2800  }
0x6f: {  	_ =	swait.ge [sflag:s10], $0x2800  }
0x70: {  	[sflag:s10] =	ssyncset.done $0x0  }
0x71: {  	s17 =	rddreg [dreg:$0x1b];
	[sflag:s10] =	ssyncadd.s32 $0xFFFFD800  }
0x72: {  	[spmem:s17], [sflag:s15] =	dma.local [hbm:s0], $0x2800  }
0x73: {  	_ =	swait.ge [sflag:s10], $0x2800  }
0x74: {  	[sflag:s10] =	ssyncset.done $0x0;
	s18 =	rddreg [dreg:$0x9]  }
0x75: {  	s19 =	rddreg [dreg:$0x1c];
	[sflag:s10] =	ssyncadd.s32 $0xFFFFD800  }
0x76: {  	[spmem:s19], [sflag:s15] =	dma.local [hbm:s18], $0x2800  }
0x77: {  	_ =	swait.ge [sflag:s10], $0x2800  }
0x78: {  	[sflag:s10] =	ssyncset.done $0x0  }
0x79: {  	s17 =	rddreg [dreg:$0x1d];
	[sflag:s10] =	ssyncadd.s32 $0xFFFFD800  }
0x7a: {  	[spmem:s17], [sflag:s15] =	dma.local [hbm:s0], $0x2800  }
0x7b: {  	_ =	swait.ge [sflag:s10], $0x2800  }
0x7c: {  	[sflag:s10] =	ssyncset.done $0x0;
	s18 =	rddreg [dreg:$0xa]  }
0x7d: {  	s19 =	rddreg [dreg:$0x1e];
	[sflag:s10] =	ssyncadd.s32 $0xFFFFD800  }
0x7e: {  	[spmem:s19], [sflag:s15] =	dma.local [hbm:s18], $0x2800  }
0x7f: {  	_ =	swait.ge [sflag:s10], $0x2800  }
0x80: {  	[sflag:s10] =	ssyncset.done $0x0  }
0x81: {  	s17 =	rddreg [dreg:$0x1f];
	[sflag:s10] =	ssyncadd.s32 $0xFFFFD800  }
0x82: {  	[spmem:s17], [sflag:s15] =	dma.local [hbm:s0], $0x2800  }
0x83: {  	_ =	swait.ge [sflag:s10], $0x2800  }
0x84: {  	s19 =	sld [smem:$0x7F6]  }
0x85: {  	[sflag:s10] =	ssyncset.done $0x0  }
0x86: {  	s18 =	rddreg [dreg:$0xb];
	[sflag:s10] =	ssyncadd.s32 $0xFFFFD800  }
0x87: {  	[spmem:s19], [sflag:s15] =	dma.local [hbm:s18], $0x2800  }
0x88: {  	_ =	swait.ge [sflag:s10], $0x2800  }
0x89: {  	s17 =	sld [smem:$0x7F7]  }
0x8a: {  	[sflag:s10] =	ssyncset.done $0x0  }
0x8b: {  	[sflag:s10] =	ssyncadd.s32 $0xFFFFD800  }
0x8c: {  	[spmem:s17], [sflag:s15] =	dma.local [hbm:s0], $0x2800  }
0x8d: {  	_ =	swait.ge [sflag:s10], $0x2800  }
0x8e: {  	s19 =	sld [smem:$0x7F8]  }
0x8f: {  	[sflag:s10] =	ssyncset.done $0x0  }
0x90: {  	s18 =	rddreg [dreg:$0xc];
	[sflag:s10] =	ssyncadd.s32 $0xFFFFD800  }
0x91: {  	[spmem:s19], [sflag:s15] =	dma.local [hbm:s18], $0x2800  }
0x92: {  	_ =	swait.ge [sflag:s10], $0x2800  }
0x93: {  	s17 =	sld [smem:$0x7F9]  }
0x94: {  	[sflag:s10] =	ssyncset.done $0x0  }
0x95: {  	[sflag:s10] =	ssyncadd.s32 $0xFFFFD800  }
0x96: {  	[spmem:s17], [sflag:s15] =	dma.local [hbm:s0], $0x2800  }
0x97: {  	_ =	swait.ge [sflag:s10], $0x2800  }
0x98: {  	s19 =	sld [smem:$0x7FA]  }
0x99: {  	[sflag:s10] =	ssyncset.done $0x0  }
0x9a: {  	s18 =	rddreg [dreg:$0xd];
	[sflag:s10] =	ssyncadd.s32 $0xFFFFD800  }
0x9b: {  	[spmem:s19], [sflag:s15] =	dma.local [hbm:s18], $0x2800  }
0x9c: {  	_ =	swait.ge [sflag:s10], $0x2800  }
0x9d: {  	s16 =	sld [smem:$0x7FB]  }
0x9e: {  	[sflag:s10] =	ssyncset.done $0x0  }
0x9f: {  	[sflag:s10] =	ssyncadd.s32 $0xFFFFD800  }
0xa0: {  	[spmem:s16], [sflag:s15] =	dma.local [hbm:s0], $0x2800  }
0xa1: {  	_ =	swait.ge [sflag:s10], $0x2800  }
0xa2: {  	s18 =	sld [smem:$0x7FC]  }
0xa3: {  	[sflag:s10] =	ssyncset.done $0x0  }
0xa4: {  	s17 =	rddreg [dreg:$0xe];
	[sflag:s10] =	ssyncadd.s32 $0xFFFFD800  }
0xa5: {  	[spmem:s18], [sflag:s15] =	dma.local [hbm:s17], $0x2800  }
0xa6: {  	_ =	swait.ge [sflag:s10], $0x2800  }
0xa7: {  	s19 =	sld [smem:$0x7FD]  }
0xa8: {  	[sflag:s10] =	ssyncset.done $0x0  }
0xa9: {  	[sflag:s10] =	ssyncadd.s32 $0xFFFFD800  }
0xaa: {  	[spmem:s19], [sflag:s15] =	dma.local [hbm:s0], $0x2800  }
0xab: {  	_ =	swait.ge [sflag:s10], $0x2800  }
0xac: {  	[sflag:s10] =	ssyncset.done $0x0  }
0xad: {  	s16 =	rddreg [dreg:$0xf];
	[sflag:s10] =	ssyncadd.s32 $0xFFFFD800  }
0xae: {  	[spmem:s20], [sflag:s15] =	dma.local [hbm:s16], $0x2800  }
0xaf: {  	_ =	swait.ge [sflag:s10], $0x2800  }
0xb0: {  	[sflag:s10] =	ssyncset.done $0x0  }
0xb1: {  	[sflag:s10] =	ssyncadd.s32 $0xFFFFD800  }
0xb2: {  	[spmem:s21], [sflag:s15] =	dma.local [hbm:s0], $0x2800  }
0xb3: {  	_ =	swait.ge [sflag:s10], $0x2800  }
0xb4: {  	[sflag:s10] =	ssyncset.done $0x0  }
0xb5: {  	s17 =	rddreg [dreg:$0x10];
	[sflag:s10] =	ssyncadd.s32 $0xFFFFD800  }
0xb6: {  	[spmem:s22], [sflag:s15] =	dma.local [hbm:s17], $0x2800  }
0xb7: {  	_ =	swait.ge [sflag:s10], $0x2800  }
0xb8: {  	[sflag:s10] =	ssyncset.done $0x0  }
0xb9: {  	[sflag:s10] =	ssyncadd.s32 $0xFFFFD800  }
0xba: {  	[spmem:s23], [sflag:s15] =	dma.local [hbm:s0], $0x2800  }
0xbb: {  	_ =	swait.ge [sflag:s10], $0x2800  }
0xbc: {  	[sflag:s10] =	ssyncset.done $0x0  }
0xbd: {  	s18 =	rddreg [dreg:$0x11];
	[sflag:s10] =	ssyncadd.s32 $0xFFFFD800  }
0xbe: {  	[spmem:s26], [sflag:s15] =	dma.local [hbm:s18], $0x2800  }
0xbf: {  	_ =	swait.ge [sflag:s10], $0x2800  }
0xc0: {  	[sflag:s10] =	ssyncset.done $0x0  }
0xc1: {  	[sflag:s10] =	ssyncadd.s32 $0xFFFFD800  }
0xc2: {  	[spmem:s28], [sflag:s15] =	dma.local [hbm:s0], $0x2800  }
0xc3: {  	_ =	swait.ge [sflag:s10], $0x2800  }
0xc4: {  	[sflag:s10] =	ssyncset.done $0x0  }
0xc5: {  	s19 =	rddreg [dreg:$0x12];
	[sflag:s10] =	ssyncadd.s32 $0xFFFFD800  }
0xc6: {  	[spmem:s29], [sflag:s15] =	dma.local [hbm:s19], $0x2800  }
0xc7: {  	_ =	swait.ge [sflag:s10], $0x2800  }
0xc8: {  	[sflag:s10] =	ssyncset.done $0x0  }
0xc9: {  	[sflag:s10] =	ssyncadd.s32 $0xFFFFD800  }
0xca: {  	[spmem:s30], [sflag:s15] =	dma.local [hbm:s0], $0x2800  }
0xcb: {  	_ =	swait.ge [sflag:s10], $0x2800  }
0xcc: {  	[sflag:s10] =	ssyncset.done $0x0  }
0xcd: {  	s16 =	rddreg [dreg:$0x13];
	[sflag:s10] =	ssyncadd.s32 $0xFFFFD800  }
0xce: {  	[spmem:s31], [sflag:s15] =	dma.local [hbm:s16], $0x2800  }
0xcf: {  	_ =	swait.ge [sflag:s10], $0x2800  }
0xd0: {  	[sflag:s10] =	ssyncset.done $0x0  }
0xd1: {  	[sflag:s10] =	ssyncadd.s32 $0xFFFFD800  }
0xd2: {  	[spmem:s1], [sflag:s15] =	dma.local [hbm:s0], $0x2800  }
0xd3: {  	_ =	swait.ge [sflag:s10], $0x2800  }
0xd4: {  	[sflag:s10] =	ssyncset.done $0x0  }
0xd5: {  	s17 =	rddreg [dreg:$0x14];
	[sflag:s10] =	ssyncadd.s32 $0xFFFFD800  }
0xd6: {  	[spmem:s6], [sflag:s15] =	dma.local [hbm:s17], $0x2800  }
0xd7: {  	_ =	swait.ge [sflag:s10], $0x2800  }
0xd8: {  	[sflag:s10] =	ssyncset.done $0x0  }
0xd9: {  	s18 =	sadd.s32 $0x0, s7;
	[sflag:s10] =	ssyncadd.s32 $0xFFFFD800  }
0xda: {  	[tilespmem:s5], [sflag:$0x2] =	stream.linear.gather [hbm4b:s18+s5], $0x80, $0x38;
	[tilespmem:$0x9100] =	vst v63  }
0xdb: {  	_ =	swait.ge [sflag:s10], $0x80  }
0xdc: {  	[sflag:s10] =	ssyncset.done $0x0  }
0xdd: {  	s19 =	sadd.s32 $0x0, s8;
	[sflag:s10] =	ssyncadd.s32 $0xFFFFFF80  }
0xde: {  	[tilespmem:s11], [sflag:$0x2] =	stream.linear.gather [hbm4b:s19+s5], $0x80, $0x38;
	[tilespmem:$0x9100] =	vst v63  }
0xdf: {  	_ =	swait.ge [sflag:s10], $0x80  }
0xe0: {  	[sflag:s10] =	ssyncset.done $0x0  }
0xe1: {  	[sflag:s10] =	ssyncadd.s32 $0xFFFFFF80  }
0xe2: {  	[tilespmem:s12], [sflag:$0x1] =	stream.indirect.gather [spmem:s4], $0x10, s5, s11, $0xb8;
	[tilespmem:$0x9100] =	vst v63  }
0xe3: {  	_ =	swait.ge [sflag:s13], $0x800  }
0xe4: {  	[sflag:s13] =	ssyncset.done $0x0  }
0xe5: {  	[sflag:s13] =	ssyncadd.s32 $0xFFFFF800  }
0xe6: {  	[spmem:s3] =	stream.indirect.scatter.add.f32 [tilespmem:s12], [sflag:$0x2], $0x10, s11, s11, $0xb8;
	[tilespmem:$0x9100] =	vst v63  }
0xe7: {  	_ =	swait.ge [sflag:s10], $0x800  }
0xe8: {  	s2 =	simm.s32 $0x20;
	s16 =	simm.s32 $0x10;
	[sflag:s10] =	ssyncset.done $0x0  }
.LBB2_3:
0xe9: {  	s17 =	sadd.s32 s16, s7  }
0xea: {  	[sflag:s10] =	ssyncadd.s32 $0xFFFFF800;
	s18 =	smov.u32 s2;
	s19 =	sadd.s32 $0x10, s2  }
0xeb: {  	[tilespmem:s5], [sflag:$0x2] =	stream.linear.gather [hbm4b:s17+s5], $0x80, $0x38;
	[tilespmem:$0x9100] =	vst v63  }
0xec: {  	p1 =	sne.s32 s2, $0x9FF0;
	_ =	swait.ge [sflag:s10], $0x80  }
0xed: {  	[sflag:s10] =	ssyncset.done $0x0  }
0xee: {  	s2 =	sadd.s32 s16, s8;
	s16 =	smov.u32 s18;
	[sflag:s10] =	ssyncadd.s32 $0xFFFFFF80  }
0xef: {  	[tilespmem:s11], [sflag:$0x2] =	stream.linear.gather [hbm4b:s2+s5], $0x80, $0x38;
	[tilespmem:$0x9100] =	vst v63  }
0xf0: {  	_ =	swait.ge [sflag:s10], $0x80  }
0xf1: {  	[sflag:s10] =	ssyncset.done $0x0  }
0xf2: {  	[sflag:s10] =	ssyncadd.s32 $0xFFFFFF80  }
0xf3: {  	[tilespmem:s12], [sflag:$0x1] =	stream.indirect.gather [spmem:s4], $0x10, s5, s11, $0xb8;
	[tilespmem:$0x9100] =	vst v63  }
0xf4: {  	_ =	swait.ge [sflag:s13], $0x800  }
.Ltmp3:
0xf5: {  	[sflag:s13] =	ssyncset.done $0x0;
	(pc) =	sbr.rel @p1 .LBB2_3-.Ltmp3, $4  }
0xf6: {  	[sflag:s13] =	ssyncadd.s32 $0xFFFFF800  }
0xf7: {  	[spmem:s3] =	stream.indirect.scatter.add.f32 [tilespmem:s12], [sflag:$0x2], $0x10, s11, s11, $0xb8;
	[tilespmem:$0x9100] =	vst v63  }
0xf8: {  	_ =	swait.ge [sflag:s10], $0x800  }
0xf9: {  	s2 =	smov.u32 s19;
	[sflag:s10] =	ssyncset.done $0x0  }
.Ltmp4:
0xfa: {  	_ = 	snop;
	(pc) =	sbr.rel .LBB2_4-.Ltmp4, $1  }
0xfb: {  	_ =	sdelay $0x3  }
.LBB2_6:
0xfc: {  	_ =	sfence.sel $0x180000  }
0xfd: {  	[bflag:$0x0] =	sbarrier.arrive $0xFFFF  }
0xfe: {  	_ =	strace $0x9000004D  }
0xff: {  	[bflag:$0x2] =	sbarrier.arrive $0xFFFF  }
0x100: {  	p0 =	sne.s32 s16, $0x0;
	s0 =	rddreg [dreg:$0x4]  }
0x101: {  	s0 =	sadd.s32 @!p0 $0x100000, s0  }
0x102: {  	[sflag:s0] =	ssyncadd.tile.s32 @!p0 $0x1;
	_ =	shalt  }
.Lfunc_end2:
_tile_overlayer_lowered:
.L_overlay_start_2:
0x103: {  	(tag) =	ssettag $0x2  }
0x104: {  	s0 =	rddreg [dreg:$0x0];
	s2 =	stileid.u32  }
0x105: {  	s1 =	rddreg [dreg:$0x1];
	p0 =	sne.s32 s2, $0x0  }
0x106: {  	s3 =	rddreg [dreg:$0x2];
	[bflag:$0x3] =	sbarrier.arrive $0xFFFF;
	s2 =	simm.s32 @!p0 $0x1C02  }
0x107: {  	[timem:s3], [sflag:s2] =	dma.local @!p0 [hbm:s0], s1  }
0x108: {  	s0 =	simm.s32 @!p0 $0x2  }
0x109: {  	_ =	swait.ge @!p0 [sflag:s0], s1  }
0x10a: {  	s1 =	ssub.s32 @!p0 $0x0, s1;
	[sflag:s0] =	ssyncset.done @!p0 $0x0  }
0x10b: {  	[sflag:s0] =	ssyncadd.s32 @!p0 s1  }
0x10c: {  	[bflag:$0x3] =	sbarrier.arrive $0xFFFF  }
0x10d: {  	_ =	shalt  }

// kernel: scatter_offload_async_start
scs
__scs_entry_jumppad:
0x0: {  	(pc) =	sbr.rel $0x88, $3  }
0x1: {  	(tag) =	ssettag $0x0;
	lr =	simm.s32 $0x1  }
0x2: {  	[smem:$0x3F9B] =	sst lr;
	_ =	strace $0xD0000000  }
0x3: {  	_ = 	snop  }
0x4: {  	_ = 	snop  }
0x5: {  	_ = 	snop  }
0x6: {  	_ = 	snop  }
0x7: {  	_ = 	snop  }
__scs_overlays_trampoline_lowered:
0x8: {  	[smem:$0x3FAA] =	sst s0  }
0x9: {  	[smem:$0x3FAB] =	sst s1  }
0xa: {  	[smem:$0x3FAC] =	sst s2  }
0xb: {  	[smem:$0x3FAD] =	sst s3  }
0xc: {  	[smem:$0x3FAE] =	sst s4  }
0xd: {  	[smem:$0x3FAF] =	sst s5  }
0xe: {  	[smem:$0x3FB0] =	sst s6  }
0xf: {  	[smem:$0x3FB1] =	sst s7  }
0x10: {  	[smem:$0x3FB2] =	sst s8  }
0x11: {  	[smem:$0x3FB3] =	sst s9;
	s0 =	simm.s32 @!p0 $0x0  }
0x12: {  	s1 =	sld [smem:$0x3F99];
	s0 =	simm.s32 @p0 $0x1  }
0x13: {  	[smem:$0x3FB4] =	sst s0;
	s0 =	simm.s32 @!p1 $0x0  }
0x14: {  	s2 =	sld [smem:$0x3F98];
	s0 =	simm.s32 @p1 $0x1  }
0x15: {  	[smem:$0x3FB5] =	sst s0;
	s0 =	simm.s32 @!p2 $0x0  }
0x16: {  	s3 =	sld [smem:$0x3FDB];
	s0 =	simm.s32 @p2 $0x1  }
0x17: {  	s4 =	simm.s32 $0x1BF5;
	[smem:$0x3FB7] =	sst s0  }
0x18: {  	s0 =	sld [smem:$0x3F9A];
	_ =	swait.ge [sflag:s4], $0x0  }
0x19: {  	s7 =	sld [smem:$0x3F9B]  }
0x1a: {  	s8 =	sadd.s32 $0xFFFFE003, lr  }
0x1b: {  	s9 =	sadd.s32 $0xFFFFFEF7, lr;
	s5 =	simm.s32 $0xFFFFFFFF;
	p2 =	slt.u32 s8, $0xFFFFF086  }
0x1c: {  	p1 =	slt.u32 s9, $0xF7A;
	s5 =	simm.s32 @!p2 $0x0  }
0x1d: {  	s5 =	simm.s32 @p1 $0x1;
	p0 =	seq.s32 s7, s2  }
0x1e: {  	s7 =	smul.u32 @!p0 $0xF7A, s2;
	p2 =	seq.s32 @!p0 s5, $0x0  }
0x1f: {  	s9 =	smul.u32 $0xF7A, s1;
	s8 =	simm.s32 @!p0 $0x1BF5;
	p2 =	por !p2, p0  }
0x20: {  	[sflag:s8] =	ssyncset.s32 @!p0 $0xFFFFF086;
	s6 =	sadd.s32 @!p0 s3, s7;
	s7 =	simm.s32 @!p0 $0x108  }
0x21: {  	s3 =	sadd.s32 s3, s9;
	s6 =	sadd.s32 @!p0 $0x88, s6;
	s7 =	simm.s32 @p2 $0x1082  }
0x22: {  	[simem:s7], [sflag:s8] =	dma.local @!p0 [hbm:s6], $0xF7A  }
0x23: {  	s9 =	sor.u32 $0xD0000000, s2;
	s6 =	simm.s32 $0x108;
	_ =	swait.ge @!p0 [sflag:s8], $0x0  }
0x24: {  	s3 =	sadd.s32 $0x88, s3;
	s6 =	simm.s32 @!p1 $0x1082;
	[sflag:s4] =	ssyncset.s32 $0xFFFFF086  }
0x25: {  	[simem:s6], [sflag:s4] =	dma.local [hbm:s3], $0xF7A  }
0x26: {  	[smem:$0x3F9B] =	sst s1;
	(tag) =	ssettag s2;
	_ =	strace s9  }
0x27: {  	s1 =	sld [smem:$0x3FAB]  }
0x28: {  	s2 =	sld [smem:$0x3FAC]  }
0x29: {  	s4 =	sld [smem:$0x3FAE]  }
0x2a: {  	p0 =	seq.s32 s5, $0x0;
	s5 =	sld [smem:$0x3FAF]  }
0x2b: {  	s6 =	sld [smem:$0x3FB0]  }
0x2c: {  	s7 =	sld [smem:$0x3FB1]  }
0x2d: {  	s3 =	simm.s32 $0x108;
	s8 =	sld [smem:$0x3FB2]  }
0x2e: {  	s3 =	simm.s32 @!p0 $0x1082;
	s9 =	sld [smem:$0x3FB3]  }
0x2f: {  	lr =	sadd.s32 s0, s3;
	s0 =	sld [smem:$0x3FAA]  }
0x30: {  	s3 =	sld [smem:$0x3FAD]  }
0x31: {  	[smem:$0x3FB6] =	sst s10  }
0x32: {  	s10 =	sld [smem:$0x3FB4];
	_ =	sdelay $0x3  }
0x33: {  	p0 =	seq.s32 s10, $0x1;
	s10 =	sld [smem:$0x3FB6];
	_ =	sdelay $0x3  }
0x34: {  	[smem:$0x3FB6] =	sst s10  }
0x35: {  	s10 =	sld [smem:$0x3FB5];
	_ =	sdelay $0x3  }
0x36: {  	p1 =	seq.s32 s10, $0x1;
	s10 =	sld [smem:$0x3FB6];
	_ =	sdelay $0x3  }
0x37: {  	[smem:$0x3FB6] =	sst s10  }
0x38: {  	s10 =	sld [smem:$0x3FB7]  }
0x39: {  	_ = 	snop;
	(pc) =	sbr.ind lr, $3  }
0x3a: {  	_ = 	snop  }
0x3b: {  	_ = 	snop  }
0x3c: {  	p2 =	seq.s32 s10, $0x1;
	s10 =	sld [smem:$0x3FB6]  }
0x3d: {  	_ =	shalt  }
0x3e: {  	_ =	shalt  }
0x3f: {  	_ =	shalt  }
0x40: {  	_ =	shalt  }
0x41: {  	_ =	shalt  }
0x42: {  	_ =	shalt  }
0x43: {  	_ =	shalt  }
0x44: {  	_ =	shalt  }
0x45: {  	_ =	shalt  }
0x46: {  	_ =	shalt  }
0x47: {  	_ =	shalt  }
0x48: {  	_ =	shalt  }
0x49: {  	_ =	shalt  }
0x4a: {  	_ =	shalt  }
0x4b: {  	_ =	shalt  }
0x4c: {  	_ =	shalt  }
0x4d: {  	_ =	shalt  }
0x4e: {  	_ =	shalt  }
0x4f: {  	_ =	shalt  }
0x50: {  	_ =	shalt  }
0x51: {  	_ =	shalt  }
0x52: {  	_ =	shalt  }
0x53: {  	_ =	shalt  }
0x54: {  	_ =	shalt  }
0x55: {  	_ =	shalt  }
0x56: {  	_ =	shalt  }
0x57: {  	_ =	shalt  }
0x58: {  	_ =	shalt  }
0x59: {  	_ =	shalt  }
0x5a: {  	_ =	shalt  }
0x5b: {  	_ =	shalt  }
0x5c: {  	_ =	shalt  }
0x5d: {  	_ =	shalt  }
0x5e: {  	_ =	shalt  }
0x5f: {  	_ =	shalt  }
0x60: {  	_ =	shalt  }
0x61: {  	_ =	shalt  }
0x62: {  	_ =	shalt  }
0x63: {  	_ =	shalt  }
0x64: {  	_ =	shalt  }
0x65: {  	_ =	shalt  }
0x66: {  	_ =	shalt  }
0x67: {  	_ =	shalt  }
0x68: {  	_ =	shalt  }
0x69: {  	_ =	shalt  }
0x6a: {  	_ =	shalt  }
0x6b: {  	_ =	shalt  }
0x6c: {  	_ =	shalt  }
0x6d: {  	_ =	shalt  }
0x6e: {  	_ =	shalt  }
0x6f: {  	_ =	shalt  }
0x70: {  	_ =	shalt  }
0x71: {  	_ =	shalt  }
0x72: {  	_ =	shalt  }
0x73: {  	_ =	shalt  }
0x74: {  	_ =	shalt  }
0x75: {  	_ =	shalt  }
0x76: {  	_ =	shalt  }
0x77: {  	_ =	shalt  }
0x78: {  	_ =	shalt  }
0x79: {  	_ =	shalt  }
0x7a: {  	_ =	shalt  }
0x7b: {  	_ =	shalt  }
0x7c: {  	_ =	shalt  }
0x7d: {  	_ =	shalt  }
0x7e: {  	_ =	shalt  }
0x7f: {  	_ =	shalt  }
0x80: {  	_ =	shalt  }
0x81: {  	_ =	shalt  }
0x82: {  	_ =	shalt  }
0x83: {  	_ =	shalt  }
0x84: {  	_ =	shalt  }
0x85: {  	_ =	shalt  }
0x86: {  	_ =	shalt  }
0x87: {  	_ =	shalt  }
.Lfunc_end0:
.L_simem_size_0:
called_computation_lowered:
.L_overlay_start_0:
0x88: {  	s0 =	sld [smem:$0x3FD9]  }
0x89: {  	s1 =	sld [smem:$0x3FFE];
	_ =	sdelay $0x3  }
0x8a: {  	s0 =	sadd.s32 s1, s0  }
0x8b: {  	[smem:$0x3FC2] =	sst s0  }
0x8c: {  	_ = 	snop  }
0x8d: {  	(tm) =	ssettm $0x1  }
0x8e: {  	s15 =	sld [smem:$0x3FFB];
	_ =	sdelay $0x3  }
0x8f: {  	_ =	strace s15  }
0x90: {  	s0 =	sld [smem:$0x3FFC];
	_ =	sdelay $0x3  }
0x91: {  	_ =	strace s0  }
0x92: {  	s0 =	sld [smem:$0x3FFD];
	_ =	sdelay $0x3  }
0x93: {  	_ =	strace s0  }
0x94: {  	_ =	strace $0x8FFFFFFF  }
0x95: {  	s16 =	sld [smem:$0x3FDB];
	_ =	sdelay $0x1  }
0x96: {  	s17 =	simm.s32 $_scs_section_size  }
0x97: {  	s2 =	simm.s32 $_size__tile_overlayer_lowered;
	s3 =	simm.s32 $_tile_overlayer_lowered  }
0x98: {  	s20 =	simm.s32 $0x1BFF;
	s19 =	sshll.u32 s3, $0x1;
	s0 =	sadd.s32 s17, s16  }
0x99: {  	s4 =	simm.s32 $0x0;
	s18 =	sshll.u32 s2, $0x1;
	s2 =	sadd.s32 s19, s0  }
0x9a: {  	[timem:s4], [sflag:s20] =	dma.local [hbm:s2], s18  }
0x9b: {  	_ =	swait.ge [sflag:s20], s18  }
0x9c: {  	s1 =	ssub.s32 $0x0, s18;
	[sflag:s20] =	ssyncset.done $0x0  }
0x9d: {  	[sflag:s20] =	ssyncadd.s32 s1;
	_ =	sdelay $0x1  }
0x9e: {  	s21 =	simm.s32 $0x1B8B  }
0x9f: {  	_ =	swait.ge [sflag:s21], $0x1  }
0xa0: {  	[sflag:s21] =	ssyncset.done $0x0  }
0xa1: {  	s23 =	simm.s32 $0x1B8E;
	s22 =	sld [smem:$0x3FFE];
	[sflag:s21] =	ssyncadd.s32 $0xFFFFFFFF  }
0xa2: {  	s24 =	simm.s32 $execute0_lowered;
	[smem:$0x3FD2] =	sst s23  }
0xa3: {  	s2 =	sshll.u32 s24, $0x1;
	_ =	strace $0x80000046;
	[dreg:$0x1] =	wrdreg $0xFFFFFFFF  }
0xa4: {  	s25 =	simm.s32 $_size_execute0_lowered;
	s0 =	sadd.s32 s0, s2;
	[dreg:$0x0] =	wrdreg $0x0  }
0xa5: {  	s2 =	sshll.u32 s25, $0x1;
	[dreg:$0x2] =	wrdreg s0  }
0xa6: {  	[dreg:$0x3] =	wrdreg s2  }
0xa7: {  	[dreg:$0x4] =	wrdreg $0xC0  }
0xa8: {  	_ =	task [dreg:s4], $0x5FFFF  }
0xa9: {  	[dreg:$0x1] =	wrdreg $0xFFFFFFFF  }
0xaa: {  	[dreg:$0x0] =	wrdreg $0x60  }
0xab: {  	[dreg:$0x2] =	wrdreg s22  }
0xac: {  	[dreg:$0x3] =	wrdreg $0x9  }
0xad: {  	_ =	task.clear_ibuf [dreg:s4], $0x4FFFF;
	_ =	strace $0x90000046  }
0xae: {  	s26 =	simm.s32 $0x9;
	_ =	strace $0x80000048  }
0xaf: {  	_ =	swait.ge [sflag:s26], $0x1  }
0xb0: {  	[sflag:s26] =	ssyncadd.s32 $0xFFFFFFFF  }
0xb1: {  	_ =	strace $0x90000048  }
0xb2: {  	_ =	sfence  }
0xb3: {  	s28 =	sld [smem:$0x0];
	_ =	sdelay $0x1  }
0xb4: {  	s29 =	srdreg.scid  }
0xb5: {  	s30 =	sshll.u32 s29, $0xD;
	s31 =	sshrl.u32 s29, $0x2  }
0xb6: {  	s1 =	sand.u32 $0x1, s29;
	s2 =	sand.u32 $0x4000, s30;
	s0 =	sadd.s32 s31, s28  }
0xb7: {  	s1 =	sor.u32 s2, s1;
	s0 =	sshll.u32 s0, $0x11  }
0xb8: {  	s0 =	sor.u32 s0, s1  }
0xb9: {  	s0 =	sadd.s32 $0x8F2B, s0  }
0xba: {  	[sflag:s0] =	ssyncadd.remote.s32 $0x1  }
0xbb: {  	_ =	sfence.sel $0xFFFF  }
0xbc: {  	[dreg:$0x0] =	wrdreg $0xFFFFFFFF;
	(pc) =	sbr.abs _section_cstart, $3  }
0xbd: {  	[dreg:$0x1] =	wrdreg $0xFFFFFFFF  }
0xbe: {  	_ =	task.clear_ibuf [dreg:s4], $0x2FFFF;
	_ =	strace $0x9FFFFFFF  }
0xbf: {  	(tm) =	ssettm $0x7FFFFFFF  }
tec
execute0_lowered:
.L_overlay_start_1:
0x0: {  	(tag) =	ssettag $0x1  }
0x1: {  	s0 =	rddreg [dreg:$0x0];
	_ =	strace $0x80000047;
	s1 =	simm.s32 $0x1  }
0x2: {  	v1 =	vimm.s32 $0xFFFFFFFF;
	[sflag:s1] =	ssyncpa.u1 $0x0  }
0x3: {  	s10 =	stileid.u32;
	s2 =	simm.s32 $0x6000;
	[tilespmem:$0x10] =	vst v1  }
0x4: {  	v0 =	vimm.f32 $0.0e+00;
	s29 =	simm.s32 $0x2;
	s7 =	simm.s32 $0x7;
	s8 =	simm.s32 $0x8;
	[tilespmem:$0x20] =	vst v1  }
0x5: {  	s30 =	simm.s32 $0x9;
	s16 =	simm.s32 $0x0;
	s17 =	simm.s32 $0xFFFFE000;
	[tilespmem:$0x30] =	vst v0  }
0x6: {  	s18 =	simm.s32 $0xF0;
	s19 =	simm.s32 $0xFFFFFFFF;
	s20 =	simm.s32 $0xFFFFC100;
	[tilespmem:$0x40] =	vst v0  }
0x7: {  	s21 =	simm.s32 $0xFFFFFFFE;
	s28 =	smin.u32 s10, $0x8;
	s3 =	sshll.u32 s10, $0x1;
	[tilespmem:$0x50] =	vst v0  }
0x8: {  	s22 =	simm.s32 $0xF;
	p0 =	slt.u32 s10, $0x8;
	[tilespmem:$0x60] =	vst v1;
	s1 =	sadd.s32 s28, s3  }
0x9: {  	s26 =	simm.s32 $0x0;
	[tilespmem:$0x70] =	vst v1;
	s2 =	simm.s32 @!p0 $0x4000;
	s4 =	sshll.u32 s1, $0xD  }
0xa: {  	s25 =	simm.s32 $0x0;
	s6 =	sadd.s32 $0xA600, s0;
	[tilespmem:$0x80] =	vst v1;
	s2 =	sadd.s32 s2, s4  }
0xb: {  	s15 =	sshllo.u32 s10, $0x1;
	v1 =	vimm.s32 $0x0;
	[tilespmem:$0xB0] =	vst v0;
	s13 =	sor.u32 $0x80, s3;
	s5 =	smin.u32 s2, $0x50000  }
0xc: {  	s14 =	sor.u32 $0x81, s3;
	[tilespmem:$0x90] =	vst v1;
	s1 =	sadd.s32 $0x28600, s0;
	s9 =	ssub.s32 s5, s4  }
.Ltmp0:
0xd: {  	[tilespmem:$0xA0] =	vst v1;
	[sflag:s29] =	ssyncpa.u1 $0x0;
	p0 =	sgt.s32 s9, $0x0;
	(pc) =	sbr.rel .LBB2_1-.Ltmp0, $4  }
0xe: {  	s0 =	sadd.s32 $0x14600, s0;
	[sflag:s7] =	ssyncpa.u1 $0x0;
	s9 =	simm.s32 @!p0 $0x0  }
0xf: {  	[dreg:$0x2] =	wrdreg s0;
	[sflag:s8] =	ssyncpa.u1 $0x0;
	s9 =	sshrl.u32 s9, $0xD  }
0x10: {  	vm0 =	vmmov $0xffff;
	v2 =	vlaneseq.u32;
	s24 =	smov.u32 s4;
	[sflag:s30] =	ssyncpa.u1 $0x0;
	s31 =	sadd.s32 $0x1, s9  }
0x11: {  	vm1 =	vmxor vm1, vm1;
	vm2 =	vmmov $0x1;
	vm3 =	vcmask $0x3F3C;
	p0 =	por $0x0, $0x0;
	s12 =	sadd.s32 $0x2, s9;
	[dreg:$0x3] =	wrdreg s31  }
.LBB2_9:
0x12: {  	p1 =	slt.u32 s25, $0x3  }
0x13: {  	s0 =	simm.s32 @!p1 $0x2  }
0x14: {  	_ =	swait.ge @!p1 [sflag:s0], $0x2000  }
0x15: {  	[sflag:s0] =	ssyncset.done @!p1 $0x0  }
0x16: {  	[sflag:s0] =	ssyncadd.s32 @!p1 $0xFFFFE000;
	s0 =	simm.s32 @!p1 $0x9  }
0x17: {  	_ =	swait.ge @!p1 [sflag:s0], $0x10  }
0x18: {  	s2 =	sadd.s32 $0x2000, s24;
	[sflag:s0] =	ssyncset.done @!p1 $0x0  }
0x19: {  	[sflag:s0] =	ssyncadd.s32 @!p1 $0xFFFFFFF0;
	p1 =	slt.s32 s2, s5;
	s0 =	smov.u32 s4  }
0x1a: {  	s0 =	smov.u32 @p1 s2;
	p1 =	sne.s32 s25, s12  }
.Ltmp1:
0x1b: {  	_ = 	snop;
	(pc) =	sbr.rel @!p1 .LBB2_10-.Ltmp1, $4  }
0x1c: {  	s31 =	sadd.s32 $0x1, s25  }
0x1d: {  	s17 =	sadd.s32 $0x2000, s17;
	s18 =	sadd.s32 $0x2000, s18;
	s19 =	sadd.s32 $0x1, s19  }
0x1e: {  	s26 =	smov.u32 s24;
	p0 =	por !p0, !p0;
	s20 =	sadd.s32 $0x2000, s20  }
0x1f: {  	s21 =	sadd.s32 $0x1, s21;
	s25 =	smov.u32 s31;
	s24 =	smov.u32 s0  }
.LBB2_1:
0x20: {  	p1 =	sge.u32 s25, s9  }
0x21: {  	s0 =	smulhi.u32 @!p1 $0xAAAAAAAB, s25;
	_ =	sdelay $0x1  }
0x22: {  	s0 =	sshrl.u32 @!p1 s0, $0x1  }
0x23: {  	s0 =	smul.u32 @!p1 $0x3, s0;
	_ =	sdelay $0x1  }
0x24: {  	s0 =	ssub.s32 @!p1 s25, s0  }
0x25: {  	s2 =	sshrl.u32 @!p1 s24, $0x3;
	s0 =	sshll.u32 @!p1 s0, $0xD  }
0x26: {  	s10 =	sand.u32 @!p1 $0x7, s24;
	s2 =	sadd.s32 @!p1 s6, s2;
	s0 =	sor.u32 @!p1 $0x100, s0  }
0x27: {  	[tilespmem:s0], [sflag:$0x7] =	stream.linear.gather @!p1 [hbm4b:s2+s10], $0x2000, $0x38;
	[tilespmem:$0x12120] =	vst v63  }
0x28: {  	s2 =	sadd.s32 $0xFFFFFFFF, s25  }
0x29: {  	p1 =	sge.u32 s2, s9  }
.Ltmp2:
0x2a: {  	_ = 	snop;
	(pc) =	sbr.rel @p1 .LBB2_5-.Ltmp2, $1  }
0x2b: {  	_ =	sdelay $0x3  }
0x2c: {  	s0 =	smulhi.u32 $0xAAAAAAAB, s2;
	_ =	sdelay $0x1  }
0x2d: {  	s0 =	sshrl.u32 s0, $0x1  }
0x2e: {  	s0 =	smul.u32 $0x3, s0;
	_ =	sdelay $0x1  }
0x2f: {  	s0 =	ssub.s32 s2, s0  }
0x30: {  	_ =	swait.ge [sflag:s7], $0x2000;
	s0 =	sshll.u32 s0, $0xD  }
0x31: {  	[sflag:s7] =	ssyncset.done $0x0;
	s0 =	sor.u32 $0x100, s0  }
0x32: {  	[sflag:s7] =	ssyncadd.s32 $0xFFFFE000;
	(ifvalue) =	ssetifvalue $0xFFFFFFFF;
	v3 =	vld.msk [tilespmem:s0+$0x0 ss:$0x1], $0xffff;
	_ =	sdelay $0x2  }
0x33: {  	s29 =	smulhi.u32 $0xAAAAAAAB, s19;
	p1 =	sne.s32 s25, $0x1  }
0x34: {  	v4 =	vimm.s32 @!p1 $0x0  }
0x35: {  	s0 =	sshrl.u32 s29, $0x1;
	v4 =	vperm.xlane @!p1 v3, v4  }
0x36: {  	s10 =	sshll.u32 s25, $0x4;
	s0 =	smul.u32 $0xFFFE8000, s0;
	vm4 =	vlt.u32 v3, $0x2800  }
0x37: {  	s10 =	sand.u32 $0x10, s10;
	v3 =	vnsel vm4, $0xFFFFFFFE, v3;
	vm4 =	vlt.u32 @!p1 v4, $0x2800  }
0x38: {  	s0 =	sshra.s32 s0, $0x2;
	[tilespmem:s10+$0x60] =	vst v3;
	v3 =	vnsel @!p1 vm4, $0xFFFFFFFE, v4  }
0x39: {  	s28 =	sadd.s32 s0, s18;
	[tilespmem:$0x80] =	vst @!p1 v3  }
0x3a: {  	v3 =	vld.msk [tilespmem:s28+$0x0 ss:$0x1], $0xffff;
	_ =	sdelay $0x4  }
0x3b: {  	(xrf1) =	vunique.msk.u32 $0xffff, v3;
	_ =	sdelay $0xd  }
0x3c: {  	v4 =	vimm.s32 $0xFFFFFFFF;
	v5, _, _ =	vpop (xrf1)  }
0x3d: {  	vm5 =	vne.s32 v3, v4;
	vm4 =	veq.s32 v5, v2  }
0x3e: {  	vm6 =	vlt.u32 v3, $0x2800;
	vm4 =	vmand vm5, vm4  }
0x3f: {  	vm4 =	vmand vm6, vm4  }
0x40: {  	v4 =	vnsel vm4, $0xFFFFFFFF, v3;
	_ =	sdelay $0x2  }
0x41: {  	s30 =	sand.u32 $0x2000, s17  }
0x42: {  	s31 =	sshll.u32 s2, $0xD;
	s0 =	sor.u32 $0x80F0, s30;
	(ifvalue) =	ssetifvalue $0xFFFFFFFF  }
0x43: {  	v3 =	vperm.xlane v3, v1;
	[tilespmem:s0], [sflag:$0x8] =	stream.indirect_vreg.gather [hbm4b:s1+s16], $0x1, v4, vm0, $0x4038;
	v4 =	vnsel vm6, $0xFFFFFFFE, v4;
	[tilespmem:$0x12120] =	vst v63  }
0x44: {  	s23 =	simm.s32 $0x0;
	s2 =	sand.u32 $0x2000, s31;
	s10 =	sadd.s32 $0xFFFFFFF0, s28;
	[tilespmem:s28+$0x0] =	vst v4  }
.LBB2_3:
0x45: {  	v4 =	vld.msk [tilespmem:s10+$0x0 ss:$0x1], $0xffff;
	s23 =	sadd.s32 $0x10, s23;
	v5 =	vmov v3;
	s28 =	smov.u32 s10  }
0x46: {  	p1 =	slt.u32 s23, $0x1FF0;
	_ =	sdelay $0x4  }
0x47: {  	v3 =	vperm.xlane v4, v1;
	(xrf1) =	vunique.msk.u32 $0xffff, v4;
	_ =	sdelay $0xd  }
0x48: {  	v6, _, _ =	vpop (xrf1)  }
0x49: {  	vm5 =	vne.s32 v4, v5;
	vm4 =	veq.s32 v6, v2  }
0x4a: {  	vm6 =	vlt.u32 v4, $0x2800;
	vm4 =	vmand vm5, vm4  }
0x4b: {  	vm4 =	vmand vm6, vm4  }
0x4c: {  	v4 =	vnsel vm4, $0xFFFFFFFF, v4  }
.Ltmp3:
0x4d: {  	v5 =	vnsel vm6, $0xFFFFFFFE, v4;
	(pc) =	sbr.rel @p1 .LBB2_3-.Ltmp3, $3  }
0x4e: {  	_ =	sdelay $0x1  }
0x4f: {  	s10 =	sadd.s32 $0xFFFFFFF0, s10;
	s0 =	sadd.s32 $0xFFFFFFF0, s0;
	(ifvalue) =	ssetifvalue $0xFFFFFFFF  }
0x50: {  	[tilespmem:s0], [sflag:$0x8] =	stream.indirect_vreg.gather [hbm4b:s1+s16], $0x1, v4, vm0, $0x4038;
	[tilespmem:s28+$0x0] =	vst v5  }
0x51: {  	s0 =	sshrl.u32 s26, $0x3;
	s10 =	rddreg [dreg:$0x2]  }
0x52: {  	s2 =	sadd.s32 $0xA100, s2;
	s0 =	sadd.s32 s10, s0  }
0x53: {  	[tilespmem:s2], [sflag:$0x8] =	stream.linear.gather [hbm:s0], $0x2000, $0x38;
	[tilespmem:$0x12120] =	vst v63  }
.LBB2_5:
0x54: {  	p1 =	slt.u32 s25, $0x2  }
0x55: {  	p2 =	sge.u32 @!p1 s25, s12  }
0x56: {  	p1 =	por p1, p2  }
.Ltmp4:
0x57: {  	_ = 	snop;
	(pc) =	sbr.rel @p1 .LBB2_9-.Ltmp4, $1  }
0x58: {  	_ =	sdelay $0x3  }
0x59: {  	s0 =	sadd.s32 $0xFFFFFFFE, s25  }
0x5a: {  	s2 =	smulhi.u32 $0xAAAAAAAB, s0;
	_ =	sdelay $0x1  }
0x5b: {  	s2 =	sshrl.u32 s2, $0x1  }
0x5c: {  	s2 =	smul.u32 $0x3, s2  }
0x5d: {  	_ =	swait.ge [sflag:s8], $0x4000  }
0x5e: {  	s10 =	rddreg [dreg:$0x3];
	s0 =	ssub.s32 s0, s2  }
0x5f: {  	[sflag:s8] =	ssyncset.done $0x0;
	p1 =	sne.s32 s25, s10;
	s0 =	sshll.u32 s0, $0xD  }
0x60: {  	[sflag:s8] =	ssyncadd.s32 $0xFFFFC000;
	s2 =	sadd.s32 @!p1 $0x20FF, s0  }
0x61: {  	[spmem:s14] =	stream.linear.scatter @!p1 [tilespmem:s2], [sflag:$0x1], $0x1, $0x38;
	[tilespmem:$0x12120] =	vst v63  }
0x62: {  	s2 =	simm.s32 @!p1 $0x1  }
0x63: {  	_ =	swait.ge @!p1 [sflag:s2], $0x1  }
0x64: {  	s10 =	sshll.u32 s25, $0x4;
	[sflag:s2] =	ssyncset.done @!p1 $0x0  }
0x65: {  	s26 =	sand.u32 $0x10, s10;
	[sflag:s2] =	ssyncadd.s32 @!p1 $0xFFFFFFFF  }
0x66: {  	s2 =	sxor.u32 $0x10, s26;
	v4 =	vld [tilespmem:s26+$0x10]  }
0x67: {  	v5 =	vld [tilespmem:s2+$0x60]  }
0x68: {  	v3 =	vld [tilespmem:$0x80];
	_ =	sdelay $0x2  }
0x69: {  	(v2sf) =	vpush v4, $0x0  }
0x6a: {  	(v2sf) =	vpush v5, $0x0  }
0x6b: {  	(v2sf) =	vpush v3, $0x0;
	_ =	sdelay $0xc  }
0x6c: {  	s11 =	spop (v2sf)  }
0x6d: {  	s23 =	spop (v2sf)  }
0x6e: {  	s29 =	spop (v2sf)  }
0x6f: {  	p2 =	seq.s32 s11, s23;
	p3 =	seq.s32 s29, s11  }
0x70: {  	p3 =	por p2, p3  }
0x71: {  	v4 =	vpsel p3, $0xFFFFFFFF, v4  }
0x72: {  	s23 =	sand.u32 $0x1, s25;
	[tilespmem:s26+$0x10] =	vst.msk $0x1, v4  }
0x73: {  	s30 =	sshll.u32 s23, $0xD;
	v4 =	vld [tilespmem:$0x30]  }
0x74: {  	v5 =	vld [tilespmem:s30+$0xA100]  }
0x75: {  	v6 =	vld [tilespmem:s26+$0x40];
	_ =	sdelay $0x3  }
0x76: {  	vm4 =	vmmov vm1;
	v5 =	vadd.f32 v5, v4  }
0x77: {  	vm5 =	vmmov vm2;
	vm4 =	vmmov @p2 vm2;
	s10 =	sshll.u32 s23, $0x4;
	v4 =	vadd.f32 v6, v4  }
0x78: {  	s28 =	sor.u32 $0x12100, s10;
	vm5 =	vmmov @p3 vm1;
	[tilespmem:s30+$0xA100] =	vst.msk vm4, v5  }
0x79: {  	[tilespmem:s28+$0x0] =	vst.msk vm5, v4  }
0x7a: {  	v4 =	vld [tilespmem:s30+$0x80F0];
	_ =	sdelay $0x3  }
0x7b: {  	v5 =	vimm.f32 $0.0e+00  }
0x7c: {  	v4 =	vshift.insert v4, v5, s22  }
0x7d: {  	s11 =	sor.u32 $0x40, s2  }
0x7e: {  	[tilespmem:s11+$0x0] =	vst.msk $0x1, v4  }
0x7f: {  	[tilespmem:s30+$0x80FF] =	vst.msk $0x1, v5  }
0x80: {  	v4 =	vld [tilespmem:s0+$0x20F0];
	_ =	sdelay $0x1  }
0x81: {  	s23 =	smulhi.u32 $0xAAAAAAAB, s21;
	_ =	sdelay $0x1  }
0x82: {  	s10 =	simm.s32 $0x1;
	s0 =	sshrl.u32 s23, $0x1  }
0x83: {  	s10 =	simm.s32 @!p0 $0x0;
	s0 =	smul.u32 $0xFFFE8000, s0;
	v4 =	vshift.insert v4, v1, s22  }
0x84: {  	s10 =	sshll.u32 s10, $0xD  }
0x85: {  	s31 =	sadd.s32 $0xA100, s10;
	s0 =	sshra.s32 s0, $0x2;
	[tilespmem:s2+$0x10] =	vst.msk $0x1, v4  }
0x86: {  	s11 =	sadd.s32 s0, s20;
	v6 =	vld [tilespmem:s31+$0x0]  }
0x87: {  	v7 =	vld [tilespmem:s11+$0x0];
	_ =	sdelay $0x3  }
0x88: {  	v5 =	vadd.f32 v6, v5  }
0x89: {  	vm4 =	vne.s32 v7, $0xFFFFFFFF  }
0x8a: {  	(xrf2) =	vadd.seg.scan.f32 vm4, v5;
	_ =	sdelay $0x3  }
0x8b: {  	s0 =	sadd.s32 $0x6100, s10;
	v5 =	vperm.xlane v4, v1  }
0x8c: {  	v6 =	vld [tilespmem:s0+$0x0]  }
0x8d: {  	vm5 =	veq.s32 v7, v3;
	vm6 =	veq.s32 v7, v5  }
0x8e: {  	vm7 =	vgt.u32 v7, $0xFFFFFFFD;
	vm6 =	vmor vm6, vm5  }
0x8f: {  	vm6 =	vmor vm6, vm7  }
0x90: {  	v9 =	vld [tilespmem:$0xA0];
	v7 =	vsel vm6, $0xFFFFFFFF, v7  }
0x91: {  	v10 =	vld [tilespmem:$0x90];
	v6 =	vsel vm5, $0x0, v6;
	v8, _, _ =	vpop (xrf2)  }
0x92: {  	v6 =	vadd.f32 v8, v6  }
0x93: {  	s2 =	sadd.s32 $0xE100, s10  }
0x94: {  	vm4 =	vmand vm4, vm3;
	[tilespmem:s2+$0x0] =	vst v6;
	(ifvalue) =	ssetifvalue $0xFFFFFFFF  }
0x95: {  	vm6 =	veq.s32 v9, $0x1;
	[hbm4b:s1+s16] =	stream.indirect_vreg.scatter [tilespmem:s2], [sflag:$0x2], $0x1, v7, vm0, $0x4038;
	v7 =	vsel vm4, $0x0, v8;
	[tilespmem:$0x12120] =	vst v63  }
0x96: {  	s23 =	simm.s32 $0x0;
	s10 =	sadd.s32 $0x10, s11;
	vm4 =	vmor vm6, vm5;
	v6 =	vsel vm5, v8, v10;
	v7 =	vshift.insert v7, v0, s22  }
.LBB2_7:
0x97: {  	v8 =	vld [tilespmem:s10+$0x0];
	s31 =	sadd.s32 $0x10, s31  }
0x98: {  	s0 =	sadd.s32 $0x10, s0;
	v9 =	vld [tilespmem:s31+$0x0]  }
0x99: {  	s23 =	sadd.s32 $0x10, s23;
	v10 =	vld [tilespmem:s0+$0x0]  }
0x9a: {  	p2 =	slt.u32 s23, $0x1FF0;
	_ =	sdelay $0x2  }
0x9b: {  	v7 =	vadd.f32 v9, v7  }
0x9c: {  	vm5 =	vne.s32 v8, $0xFFFFFFFF  }
0x9d: {  	vm6 =	vmand vm5, vm3;
	(xrf2) =	vadd.seg.scan.f32 vm5, v7;
	_ =	sdelay $0x5  }
0x9e: {  	vm7 =	veq.s32 v8, v5;
	vm5 =	veq.s32 v8, v3  }
0x9f: {  	vm8 =	vgt.u32 v8, $0xFFFFFFFD;
	vm4 =	vmor vm4, vm5;
	vm7 =	vmor vm7, vm5  }
0xa0: {  	vm7 =	vmor vm7, vm8  }
0xa1: {  	v8 =	vsel vm7, $0xFFFFFFFF, v8  }
.Ltmp5:
0xa2: {  	v7 =	vsel vm5, $0x0, v10;
	v9, _, _ =	vpop (xrf2);
	(pc) =	sbr.rel @p2 .LBB2_7-.Ltmp5, $4  }
0xa3: {  	v6 =	vsel vm5, v9, v6;
	v10 =	vadd.f32 v9, v7;
	v7 =	vsel vm6, $0x0, v9  }
0xa4: {  	s2 =	sadd.s32 $0x10, s2;
	v7 =	vshift.insert v7, v0, s22  }
0xa5: {  	s10 =	sadd.s32 $0x10, s10;
	[tilespmem:s2+$0x0] =	vst v10;
	(ifvalue) =	ssetifvalue $0xFFFFFFFF  }
0xa6: {  	[hbm4b:s1+s16] =	stream.indirect_vreg.scatter [tilespmem:s2], [sflag:$0x2], $0x1, v8, vm0, $0x4038;
	[tilespmem:$0x12120] =	vst v63  }
0xa7: {  	v3 =	vld [tilespmem:s30+$0x100F0];
	_ =	sdelay $0x4  }
0xa8: {  	v3 =	vshift.insert v3, v0, s22  }
0xa9: {  	s0 =	simm.s32 $0x30  }
0xaa: {  	[tilespmem:s0+$0x0] =	vst.msk $0x1, v3  }
0xab: {  	v3 =	vsel vm4, $0x1, v1;
	[tilespmem:$0x90] =	vst v6  }
0xac: {  	s0 =	sadd.s32 @!p1 $0x100FF, s30;
	[tilespmem:$0xA0] =	vst v3  }
0xad: {  	[spmem:s15] =	stream.linear.scatter @!p1 [tilespmem:s0], [sflag:$0x1], $0x1, $0x38;
	[tilespmem:$0x12120] =	vst v63  }
0xae: {  	s0 =	simm.s32 @!p1 $0x1  }
0xaf: {  	v3 =	vmctz.xlane @!p1 vm4;
	_ =	swait.ge @!p1 [sflag:s0], $0x1  }
0xb0: {  	(v2sf) =	vpush @!p1 v4, $0x0  }
0xb1: {  	(v2sf) =	vpush @!p1 v3, $0x0;
	_ =	sdelay $0xd  }
0xb2: {  	s2 =	spop @!p1 (v2sf)  }
0xb3: {  	s10 =	spop @!p1 (v2sf)  }
0xb4: {  	p2 =	sne.s32 @!p1 s29, s2;
	p3 =	slt.s32 @!p1 s10, $0xF  }
0xb5: {  	[sflag:s0] =	ssyncset.done @!p1 $0x0;
	p2 =	por p2, p1;
	p3 =	por !p3, p1  }
0xb6: {  	[sflag:s0] =	ssyncadd.s32 @!p1 $0xFFFFFFFF;
	v3 =	vimm.s32 @!p2 $0xFFFFFFFF;
	s10 =	simm.s32 @p3 $0xF  }
0xb7: {  	[tilespmem:$0x80] =	vst @!p2 v3;
	s2 =	sadd.s32 @!p1 $0x90, s10  }
0xb8: {  	[spmem:s3] =	stream.linear.scatter @!p1 [tilespmem:s2], [sflag:$0x1], $0x1, $0x38;
	[tilespmem:$0x12120] =	vst v63  }
0xb9: {  	_ =	swait.ge @!p1 [sflag:s0], $0x1  }
0xba: {  	[sflag:s0] =	ssyncset.done @!p1 $0x0  }
0xbb: {  	s2 =	simm.s32 @!p1 $0x80;
	[sflag:s0] =	ssyncadd.s32 @!p1 $0xFFFFFFFF  }
0xbc: {  	[spmem:s13] =	stream.linear.scatter @!p1 [tilespmem:s2], [sflag:$0x1], $0x1, $0x38;
	[tilespmem:$0x12120] =	vst v63  }
0xbd: {  	_ =	swait.ge @!p1 [sflag:s0], $0x1  }
0xbe: {  	[sflag:s0] =	ssyncset.done @!p1 $0x0  }
0xbf: {  	[sflag:s0] =	ssyncadd.s32 @!p1 $0xFFFFFFFF;
	(ifvalue) =	ssetifvalue $0xFFFFFFFF;
	v3 =	vld [tilespmem:s26+$0x10];
	_ =	sdelay $0x3  }
.Ltmp6:
0xc0: {  	_ = 	snop;
	(pc) =	sbr.rel .LBB2_9-.Ltmp6, $3  }
0xc1: {  	_ =	sdelay $0x1  }
0xc2: {  	(ifvalue) =	ssetifvalue $0xFFFFFFFF  }
0xc3: {  	[hbm4b:s1+s16] =	stream.indirect_vreg.scatter [tilespmem:s28], [sflag:$0x9], $0x1, v3, vm0, $0x4038;
	[tilespmem:$0x12120] =	vst v63  }
.LBB2_10:
0xc4: {  	_ =	sfence.sel $0x180000  }
0xc5: {  	s0 =	simm.s32 $0x7;
	[bflag:$0x0] =	sbarrier.arrive $0xFFFF  }
0xc6: {  	s26 =	simm.s32 $0x8;
	[sflag:s0] =	ssyncpa.u1 $0x1  }
0xc7: {  	s28 =	simm.s32 $0x9;
	[sflag:s26] =	ssyncpa.u1 $0x1  }
0xc8: {  	[sflag:s28] =	ssyncpa.u1 $0x1  }
0xc9: {  	_ =	sfence.stream.spmem  }
0xca: {  	s29 =	simm.s32 $0x3;
	[bflag:$0x0] =	sbarrier.arrive $0xFFFF  }
0xcb: {  	s30 =	simm.s32 $0x4;
	[sflag:s29] =	ssyncpa.u1 $0x1  }
0xcc: {  	s31 =	simm.s32 $0x3C;
	s2 =	stileid.u32;
	[sflag:s30] =	ssyncpa.u1 $0x1  }
0xcd: {  	p0 =	sne.s32 s2, $0x0;
	[sflag:s31] =	ssyncpa.u1 $0x1  }
0xce: {  	s0 =	simm.s32 @p0 $0x1;
	_ =	sfence @p0  }
0xcf: {  	[sflag:s0] =	ssyncpa.u1 @p0 $0x1;
	s0 =	simm.s32 @p0 $0x2  }
0xd0: {  	[sflag:s0] =	ssyncpa.u1 @p0 $0x1  }
0xd1: {  	_ =	strace @p0 $0x90000047  }
0xd2: {  	[bflag:$0x2] =	sbarrier.arrive @p0 $0xFFFF  }
0xd3: {  	_ =	shalt @p0  }
.LBB2_11:
0xd4: {  	_ =	sfence.stream.spmem;
	s0 =	simm.s32 $0x5  }
0xd5: {  	s2 =	simm.s32 $0x80;
	s3 =	simm.s32 $0xC0;
	[sflag:s0] =	ssyncpa.u1 $0x0  }
0xd6: {  	[tilespmem:s3], [sflag:$0x5] =	stream.linear.gather [spmem:s2], $0x20, $0x38;
	[tilespmem:$0x12120] =	vst v63  }
0xd7: {  	s2 =	simm.s32 $0x0;
	s3 =	simm.s32 $0xE0  }
0xd8: {  	[tilespmem:s3], [sflag:$0x5] =	stream.linear.gather [spmem:s2], $0x20, $0x38;
	[tilespmem:$0x12120] =	vst v63  }
.Ltmp7:
0xd9: {  	_ = 	snop;
	(pc) =	sbr.rel .LBB2_12-.Ltmp7, $4  }
0xda: {  	_ =	swait.ge [sflag:s0], $0x40  }
0xdb: {  	[sflag:s0] =	ssyncset.done $0x0  }
0xdc: {  	s31 =	simm.s32 $0x6;
	[sflag:s0] =	ssyncadd.s32 $0xFFFFFFC0  }
0xdd: {  	s4 =	simm.s32 $0x0;
	[sflag:s31] =	ssyncpa.u1 $0x0  }
.LBB2_17:
0xde: {  	p0 =	sgt.u32 s0, $0x27FF  }
0xdf: {  	s5 =	sshrl.u32 @!p0 s0, $0x3  }
0xe0: {  	s0 =	sand.u32 @!p0 $0x7, s0;
	s6 =	simm.s32 @!p0 $0xB0;
	s5 =	sadd.s32 @!p0 s1, s5  }
0xe1: {  	[tilespmem:s6], [sflag:$0x6] =	stream.linear.gather @!p0 [hbm4b:s5+s0], $0x1, $0x38;
	[tilespmem:$0x12120] =	vst v63  }
0xe2: {  	s0 =	simm.s32 @!p0 $0x6  }
0xe3: {  	_ =	swait.ge @!p0 [sflag:s0], $0x1  }
0xe4: {  	[sflag:s0] =	ssyncset.done @!p0 $0x0  }
0xe5: {  	[sflag:s0] =	ssyncadd.s32 @!p0 $0xFFFFFFFF  }
0xe6: {  	v2 =	vmov @!p0 s4;
	v1 =	vld.msk @!p0 [tilespmem:$0xB0], $0x1;
	_ =	sdelay $0x3  }
0xe7: {  	s0 =	simm.s32 @!p0 $0xE0  }
0xe8: {  	[tilespmem:v2+s0+$0x0], v1 =	vst.idx.ret.add.f32.msk @!p0 $0x1, v1  }
0xe9: {  	[tilespmem:s2+$0xC0] =	vst.msk $0x1, v0  }
0xea: {  	v0 =	vld.msk [tilespmem:s4+$0xE0], $0x1;
	_ =	sdelay $0x4  }
0xeb: {  	[tilespmem:s2+$0xE0] =	vst.msk $0x1, v0;
	s2 =	sadd.s32 $0x1, s2  }
.LBB2_19:
0xec: {  	s4 =	sadd.s32 $0x1, s4  }
0xed: {  	p0 =	sne.s32 s4, $0x20  }
.Ltmp8:
0xee: {  	_ = 	snop;
	(pc) =	sbr.rel @!p0 .LBB2_20-.Ltmp8, $1  }
0xef: {  	_ =	sdelay $0x3  }
.LBB2_12:
0xf0: {  	v0 =	vld.msk [tilespmem:s4+$0xC0], $0x1;
	_ =	sdelay $0x4  }
0xf1: {  	(v2sf) =	vpush v0, $0x0;
	_ =	sdelay $0xe  }
0xf2: {  	s0 =	spop (v2sf)  }
0xf3: {  	p0 =	seq.s32 s0, $0xFFFFFFFF  }
.Ltmp9:
0xf4: {  	_ = 	snop;
	(pc) =	sbr.rel @p0 .LBB2_19-.Ltmp9, $1  }
0xf5: {  	_ =	sdelay $0x3  }
0xf6: {  	p0 =	slt.s32 s2, $0x1  }
.Ltmp10:
0xf7: {  	_ = 	snop;
	(pc) =	sbr.rel @p0 .LBB2_17-.Ltmp10, $1  }
0xf8: {  	_ =	sdelay $0x3  }
0xf9: {  	s5 =	simm.s32 $0xC0;
	p0 =	por $0x0, $0x0  }
0xfa: {  	v1 =	vld.msk @!p0 [tilespmem:s5+$0x0], $0x1;
	_ =	sdelay $0x4  }
0xfb: {  	(v2sf) =	vpush @!p0 v1, $0x0;
	_ =	sdelay $0xd  }
0xfc: {  	p2 =	sne.s32 s2, $0x1  }
.Ltmp11:
0xfd: {  	s6 =	spop @!p0 (v2sf);
	(pc) =	sbr.rel @!p2 .LBB2_16-.Ltmp11, $4  }
0xfe: {  	p1 =	seq.s32 @!p0 s0, s6  }
0xff: {  	s6 =	simm.s32 $0x0;
	p1 =	por !p1, p0  }
0x100: {  	s8 =	simm.s32 $0xFFFFFFFF;
	s6 =	simm.s32 @p1 $0xFFFFFFFF  }
0x101: {  	s7 =	simm.s32 $0x1;
	s6 =	smov.u32 @p0 s8  }
.LBB2_15:
0x102: {  	s8 =	smov.u32 s6;
	p0 =	sne.s32 s6, $0xFFFFFFFF  }
0x103: {  	s5 =	sadd.s32 $0x1, s5;
	s6 =	smov.u32 s7;
	s7 =	sadd.s32 $0x1, s7  }
0x104: {  	p1 =	sne.s32 s2, s7;
	v1 =	vld.msk @!p0 [tilespmem:s5+$0x0], $0x1;
	_ =	sdelay $0x4  }
0x105: {  	(v2sf) =	vpush @!p0 v1, $0x0;
	_ =	sdelay $0xe  }
.Ltmp12:
0x106: {  	s9 =	spop @!p0 (v2sf);
	(pc) =	sbr.rel @p1 .LBB2_15-.Ltmp12, $4  }
0x107: {  	p2 =	seq.s32 @!p0 s0, s9  }
0x108: {  	p2 =	por !p2, p0  }
0x109: {  	s6 =	simm.s32 @p2 $0xFFFFFFFF  }
0x10a: {  	s6 =	smov.u32 @p0 s8  }
.LBB2_16:
0x10b: {  	p0 =	sne.s32 s6, $0xFFFFFFFF  }
.Ltmp13:
0x10c: {  	_ = 	snop;
	(pc) =	sbr.rel @!p0 .LBB2_17-.Ltmp13, $1  }
0x10d: {  	_ =	sdelay $0x3  }
0x10e: {  	v0 =	vld.msk [tilespmem:s4+$0xE0], $0x1;
	v1 =	vmov s6  }
.Ltmp14:
0x10f: {  	_ = 	snop;
	(pc) =	sbr.rel .LBB2_19-.Ltmp14, $2  }
0x110: {  	_ =	sdelay $0x2  }
0x111: {  	[tilespmem:v1+s3+$0x0], v0 =	vst.idx.ret.add.f32.msk $0x1, v0  }
.LBB2_20:
0x112: {  	p0 =	slt.s32 s2, $0x1  }
.Ltmp15:
0x113: {  	_ = 	snop;
	(pc) =	sbr.rel @p0 .LBB2_24-.Ltmp15, $3  }
0x114: {  	_ =	sdelay $0x1  }
0x115: {  	s0 =	simm.s32 $0x6  }
0x116: {  	[sflag:s0] =	ssyncpa.u1 $0x1;
	s0 =	simm.s32 $0x0  }
0x117: {  	s3 =	simm.s32 $0xC0  }
0x118: {  	v0 =	vld.msk [tilespmem:s3+$0x0], $0x1;
	_ =	sdelay $0x4  }
0x119: {  	(v2sf) =	vpush v0, $0x0;
	_ =	sdelay $0xe  }
0x11a: {  	s2 =	sadd.s32 $0xFFFFFFFF, s2;
	s4 =	spop (v2sf)  }
0x11b: {  	p1 =	sne.s32 s2, $0x0;
	p0 =	sgt.u32 s4, $0x27FF  }
.Ltmp16:
0x11c: {  	s5 =	sshrl.u32 @!p0 s4, $0x3;
	(pc) =	sbr.rel @!p1 .LBB2_23-.Ltmp16, $4  }
0x11d: {  	s3 =	simm.s32 $0xE0;
	s4 =	sand.u32 @!p0 $0x7, s4;
	s5 =	sadd.s32 @!p0 s1, s5  }
0x11e: {  	[hbm4b:s5+s4] =	stream.linear.scatter @!p0 [tilespmem:s3], [sflag:$0x5], $0x1, $0x38;
	[tilespmem:$0x12120] =	vst v63  }
0x11f: {  	s5 =	simm.s32 $0x0  }
0x120: {  	s4 =	simm.s32 $0xC1;
	s5 =	simm.s32 @!p0 $0x4  }
.LBB2_22:
0x121: {  	v0 =	vld.msk [tilespmem:s4+$0x0], $0x1;
	s2 =	sadd.s32 $0xFFFFFFFF, s2;
	s0 =	sadd.s32 s0, s5  }
0x122: {  	p0 =	sne.s32 s2, $0x0;
	_ =	sdelay $0x3  }
0x123: {  	(v2sf) =	vpush v0, $0x0;
	_ =	sdelay $0xe  }
.Ltmp17:
0x124: {  	s6 =	spop (v2sf);
	(pc) =	sbr.rel @p0 .LBB2_22-.Ltmp17, $4  }
0x125: {  	s5 =	simm.s32 $0x0;
	p1 =	sgt.u32 s6, $0x27FF  }
0x126: {  	s3 =	sadd.s32 $0x1, s3;
	s5 =	simm.s32 @!p1 $0x4;
	s7 =	sshrl.u32 @!p1 s6, $0x3  }
0x127: {  	s4 =	sadd.s32 $0x1, s4;
	s6 =	sand.u32 @!p1 $0x7, s6;
	s7 =	sadd.s32 @!p1 s1, s7  }
0x128: {  	[hbm4b:s7+s6] =	stream.linear.scatter @!p1 [tilespmem:s3], [sflag:$0x5], $0x1, $0x38;
	[tilespmem:$0x12120] =	vst v63  }
.LBB2_23:
0x129: {  	s0 =	sadd.s32 s0, s5  }
0x12a: {  	s0 =	sshrl.u32 s0, $0x2  }
.LBB2_24:
0x12b: {  	s1 =	simm.s32 $0x5  }
0x12c: {  	_ =	swait.ge [sflag:s1], s0  }
0x12d: {  	s28 =	ssub.s32 $0x0, s0;
	[sflag:s1] =	ssyncset.done $0x0  }
0x12e: {  	[sflag:s1] =	ssyncadd.s32 s28  }
0x12f: {  	[sflag:s1] =	ssyncpa.u1 $0x1  }
0x130: {  	s29 =	simm.s32 $0x1;
	_ =	sfence  }
0x131: {  	s30 =	simm.s32 $0x2;
	[sflag:s29] =	ssyncpa.u1 $0x1  }
0x132: {  	[sflag:s30] =	ssyncpa.u1 $0x1  }
0x133: {  	_ =	strace $0x90000047  }
0x134: {  	[bflag:$0x2] =	sbarrier.arrive $0xFFFF  }
0x135: {  	s31 =	rddreg [dreg:$0x1]  }
0x136: {  	s0 =	sadd.s32 $0x100000, s31  }
0x137: {  	[sflag:s0] =	ssyncadd.tile.s32 $0x1;
	_ =	shalt  }
.Lfunc_end2:
_tile_overlayer_lowered:
.L_overlay_start_2:
0x138: {  	(tag) =	ssettag $0x2  }
0x139: {  	s0 =	rddreg [dreg:$0x0];
	s2 =	stileid.u32  }
0x13a: {  	s1 =	rddreg [dreg:$0x1];
	p0 =	sne.s32 s2, $0x0  }
0x13b: {  	s3 =	rddreg [dreg:$0x2];
	[bflag:$0x3] =	sbarrier.arrive $0xFFFF;
	s2 =	simm.s32 @!p0 $0x1C01  }
0x13c: {  	[timem:s3], [sflag:s2] =	dma.local @!p0 [hbm:s0], s1  }
0x13d: {  	s0 =	simm.s32 @!p0 $0x1  }
0x13e: {  	_ =	swait.ge @!p0 [sflag:s0], s1  }
0x13f: {  	s1 =	ssub.s32 @!p0 $0x0, s1;
	[sflag:s0] =	ssyncset.done @!p0 $0x0  }
0x140: {  	[sflag:s0] =	ssyncadd.s32 @!p0 s1  }
0x141: {  	[bflag:$0x3] =	sbarrier.arrive $0xFFFF  }
0x142: {  	_ =	shalt  }

</sc_bundles>
